<compile_context>
chip_gen: v7x
topology: tpu7x:2x2x1
jax: 0.10.2.dev20260603
libtpu: 0.0.44.dev20260713+nightly
codegen_flags: <defaults>
</compile_context>

<pallas_src>
import jax
import jax.numpy as jnp
from jax import lax
from jax.experimental import pallas as pl
from jax.experimental.pallas import tpu as pltpu
from jax.experimental.pallas import tpu_sc as plsc

EMB = 32
NC = 2
NS = 16
NW = NC * NS
SUB = 128
CB = 64


def _gather_call(B, L, idx2d, table):
    n_rows = B * L
    b_per_w = B // NW
    rows_per_w = b_per_w * L
    sub_per_w = rows_per_w // SUB
    rows_per_ch = CB * L
    sub_per_ch = rows_per_ch // SUB
    n_chunks = b_per_w // CB
    half_rows = rows_per_ch // 2
    assert half_rows == (CB // 2) * L
    sub_a = (half_rows + SUB - 1) // SUB

    LP = (L + 7) // 8 * 8
    MP = 128

    mesh = plsc.VectorSubcoreMesh(
        core_axis_name="c", subcore_axis_name="s", num_cores=NC,
        num_subcores=NS)

    @pl.kernel(
        out_type=jax.ShapeDtypeStruct((B, LP, MP), jnp.float32),
        mesh=mesh,
        compiler_params=pltpu.CompilerParams(use_tc_tiling_on_sc=False),
        scratch_types=[
            pltpu.VMEM((sub_per_w, SUB), jnp.int32),
            pltpu.VMEM((rows_per_ch, EMB), jnp.float32),
            pltpu.SemaphoreType.DMA,
            pltpu.SemaphoreType.DMA,
            pltpu.SemaphoreType.DMA,
        ],
    )
    def k(idx_hbm, table_hbm, out_hbm, idx_v, rows_v, sg, soa, sob):
        wid = lax.axis_index("s") * NC + lax.axis_index("c")
        batch0 = wid * b_per_w
        row0 = wid * sub_per_w

        pltpu.sync_copy(idx_hbm.at[pl.ds(row0, sub_per_w), :], idx_v)

        def fire_gathers(c, j0, j1):
            for j in range(j0, j1):
                pltpu.async_copy(
                    table_hbm.at[idx_v.at[c * sub_per_ch + j]],
                    rows_v.at[pl.ds(j * SUB, SUB), :],
                    sg,
                )

        def wait_gathers(j0, j1):
            for j in range(j0, j1):
                pltpu.make_async_copy(
                    table_hbm.at[idx_v.at[j]],
                    rows_v.at[pl.ds(j * SUB, SUB), :],
                    sg,
                ).wait()

        def fire_outs(c, h, sem):
            def one(bb):
                pltpu.async_copy(
                    rows_v.at[pl.ds(h * half_rows + bb * L, L), :],
                    out_hbm.at[batch0 + c * CB + h * (CB // 2) + bb,
                               pl.ds(0, L), pl.ds(0, EMB)],
                    sem,
                )
            pl.loop(0, CB // 2)(one)

        def wait_outs(sem):
            def one(bb):
                pltpu.make_async_copy(
                    rows_v.at[pl.ds(0, L), :],
                    out_hbm.at[batch0, pl.ds(0, L), pl.ds(0, EMB)],
                    sem,
                ).wait()
            pl.loop(0, CB // 2)(one)

        def chunk(c):
            def drain_prev():
                wait_outs(soa)
                wait_outs(sob)
            pl.when(c > 0)(drain_prev)
            fire_gathers(c, 0, sub_a)
            wait_gathers(0, sub_a)
            fire_outs(c, 0, soa)
            fire_gathers(c, sub_a, sub_per_ch)
            wait_gathers(sub_a, sub_per_ch)
            fire_outs(c, 1, sob)

        pl.loop(0, n_chunks)(chunk)
        wait_outs(soa)
        wait_outs(sob)

    out_padded = k(idx2d, table)
    return out_padded[:, :L, :EMB]


def kernel(inputs, table):
    B, L = inputs.shape
    idx = inputs.reshape(-1)
    if idx.dtype != jnp.int32:
        idx = idx.astype(jnp.int32)
    idx2d = idx.reshape((B * L) // SUB, SUB)
    return _gather_call(B, L, idx2d, table)

# --- scband reference (transcript-rebuilt; emitter-appended) ---
"""Pipeline reference for scband-token-embeddings-10213432230186 (READ-ONLY COPY).

The authoritative reference and input builder live on the scoring server;
editing this copy changes nothing except your own understanding.
"""

import jax, jax.numpy as jnp
import numpy as np

VOCAB = 1000000
EMB = 32
B = 16384
L = 50

def setup_inputs(seed: int = 0) -> dict:
    key = jax.random.key(seed)
    k_idx, k_tab = jax.random.split(key)
    inputs = jax.random.randint(k_idx, (B, L), 0, VOCAB, dtype=jnp.int64) if jax.config.jax_enable_x64 else jax.random.randint(k_idx, (B, L), 0, VOCAB, dtype=jnp.int32)
    table = jax.random.normal(k_tab, (VOCAB, EMB), dtype=jnp.float32)
    return {"inputs": inputs, "table": table}

def reference(inputs, table):
    # torch.nn.Embedding forward: row gather from the embedding table
    return jnp.take(table, inputs, axis=0)

if __name__ == "__main__":
    import jax
    _d = setup_inputs()
    print(jax.jit(kernel)(*tuple(_d.values())))

</pallas_src>

<mosaic_0001>
#map = affine_map<(d0, d1) -> (0, 0)>
#map1 = affine_map<(d0, d1) -> (0, 0, 0)>
module attributes {stable_mosaic.version = 14 : i64} {
  func.func @k(%arg0: i32, %arg1: i32, %arg2: memref<6400x128xi32, #tpu.memory_space<hbm>>, %arg3: memref<1000000x32xf32, #tpu.memory_space<hbm>>, %arg4: memref<16384x56x128xf32, #tpu.memory_space<hbm>>, %arg5: memref<200x128xi32, #tpu.memory_space<vmem>>, %arg6: memref<3200x32xf32, #tpu.memory_space<vmem>>, %arg7: memref<!tpu.dma_semaphore, #tpu.memory_space<semaphore_mem>>, %arg8: memref<!tpu.dma_semaphore, #tpu.memory_space<semaphore_mem>>, %arg9: memref<!tpu.dma_semaphore, #tpu.memory_space<semaphore_mem>>) attributes {dimension_semantics = [#tpu.dimension_semantics<core_parallel>, #tpu.dimension_semantics<subcore_parallel>], iteration_bounds = array<i64: 2, 16>, scalar_prefetch = 0 : i64, scratch_operands = 5 : i64, tpu.core_type = #tpu.core_type<sc_vector_subcore>, window_params = [{transform_indices = #map}, {transform_indices = #map}, {transform_indices = #map1}]} {
    %mul3A = arith.constant 2 : i32
    %mul3A_0 = arith.muli %arg1, %mul3A : i32
    %add3A = arith.addi %mul3A_0, %arg0 : i32
    %mul3A_1 = arith.constant 512 : i32
    %mul3A_2 = arith.muli %add3A, %mul3A_1 : i32
    %mul3A_3 = arith.constant 200 : i32
    %mul3A_4 = arith.muli %add3A, %mul3A_3 : i32
    "tpu.region"() ({
      %run_scoped3A = tpu.sem_alloc : memref<!tpu.dma_semaphore, #tpu.memory_space<semaphore_mem>>
      %dma_start3A = arith.constant 0 : i32
      %dma_start3A_19 = tpu.memref_slice %arg2[%mul3A_4, %dma_start3A] : memref<6400x128xi32, #tpu.memory_space<hbm>> -> memref<200x128xi32, #tpu.memory_space<hbm>>
      %dma_start3A_20 = arith.constant 0 : i32
      %dma_start3A_21 = tpu.memref_slice %arg2[%mul3A_4, %dma_start3A_20] : memref<6400x128xi32, #tpu.memory_space<hbm>> -> memref<200x128xi32, #tpu.memory_space<hbm>>
      tpu.enqueue_dma source(%dma_start3A_21 : memref<200x128xi32, #tpu.memory_space<hbm>>) target(%arg5 : memref<200x128xi32, #tpu.memory_space<vmem>>) target_semaphore(%run_scoped3A : memref<!tpu.dma_semaphore, #tpu.memory_space<semaphore_mem>>)
      %dma_wait3A = arith.constant 0 : i32
      %dma_wait3A_22 = tpu.memref_slice %arg2[%mul3A_4, %dma_wait3A] : memref<6400x128xi32, #tpu.memory_space<hbm>> -> memref<200x128xi32, #tpu.memory_space<hbm>>
      %dma_wait3A_23 = arith.constant 0 : i32
      %dma_wait3A_24 = tpu.memref_slice %arg2[%mul3A_4, %dma_wait3A_23] : memref<6400x128xi32, #tpu.memory_space<hbm>> -> memref<200x128xi32, #tpu.memory_space<hbm>>
      tpu.wait_dma2 semaphore(%run_scoped3A : memref<!tpu.dma_semaphore, #tpu.memory_space<semaphore_mem>>) src(%dma_wait3A_24 : memref<200x128xi32, #tpu.memory_space<hbm>>) dst(%arg5 : memref<200x128xi32, #tpu.memory_space<vmem>>)
      tpu.yield
    }) : () -> ()
    %scan3A = arith.constant 0 : i32
    %scan3A_5 = arith.constant 8 : i32
    %scan3A_6 = arith.addi %scan3A, %scan3A_5 : i32
    %scan3A_7 = arith.constant 1 : i32
    scf.for %scan3A_19 = %scan3A to %scan3A_6 step %scan3A_7  : i32 {
      %mul3A_20 = arith.constant 1 : i32
      %mul3A_21 = arith.muli %scan3A_19, %mul3A_20 : i32
      %add3A_22 = arith.constant 0 : i32
      %add3A_23 = arith.addi %add3A_22, %mul3A_21 : i32
      %gt3A = arith.constant 0 : i32
      %gt3A_24 = arith.cmpi sgt, %add3A_23, %gt3A : i32
      %convert_element_type3A = arith.extui %gt3A_24 : i1 to i32
      %cond3A = arith.constant 0 : i32
      %cond3A_25 = arith.cmpi ne, %convert_element_type3A, %cond3A : i32
      scf.if %cond3A_25 {
        %scan3A_609 = arith.constant 0 : i32
        %scan3A_610 = arith.constant 32 : i32
        %scan3A_611 = arith.addi %scan3A_609, %scan3A_610 : i32
        %scan3A_612 = arith.constant 1 : i32
        scf.for %scan3A_619 = %scan3A_609 to %scan3A_611 step %scan3A_612  : i32 {
          %mul3A_620 = arith.constant 1 : i32
          %mul3A_621 = arith.muli %scan3A_619, %mul3A_620 : i32
          %add3A_622 = arith.constant 0 : i32
          %add3A_623 = arith.addi %add3A_622, %mul3A_621 : i32
          %dma_wait3A_624 = arith.constant 0 : i32
          %dma_wait3A_625 = arith.constant 0 : i32
          %dma_wait3A_626 = tpu.memref_slice %arg6[%dma_wait3A_624, %dma_wait3A_625] : memref<3200x32xf32, #tpu.memory_space<vmem>> -> memref<50x32xf32, #tpu.memory_space<vmem>>
          %dma_wait3A_627 = arith.constant 0 : i32
          %dma_wait3A_628 = arith.constant 0 : i32
          %dma_wait3A_629 = tpu.memref_slice %arg4[%mul3A_2, %dma_wait3A_627, %dma_wait3A_628] : memref<16384x56x128xf32, #tpu.memory_space<hbm>> -> memref<1x50x32xf32, #tpu.memory_space<hbm>>
          %dma_wait3A_630 = tpu.memref_squeeze %dma_wait3A_629 : memref<1x50x32xf32, #tpu.memory_space<hbm>> -> memref<50x32xf32, #tpu.memory_space<hbm>>
          %dma_wait3A_631 = arith.constant 0 : i32
          %dma_wait3A_632 = arith.constant 0 : i32
          %dma_wait3A_633 = tpu.memref_slice %arg4[%mul3A_2, %dma_wait3A_631, %dma_wait3A_632] : memref<16384x56x128xf32, #tpu.memory_space<hbm>> -> memref<1x50x32xf32, #tpu.memory_space<hbm>>
          %dma_wait3A_634 = tpu.memref_squeeze %dma_wait3A_633 : memref<1x50x32xf32, #tpu.memory_space<hbm>> -> memref<50x32xf32, #tpu.memory_space<hbm>>
          %dma_wait3A_635 = arith.constant 0 : i32
          %dma_wait3A_636 = arith.constant 0 : i32
          %dma_wait3A_637 = tpu.memref_slice %arg6[%dma_wait3A_635, %dma_wait3A_636] : memref<3200x32xf32, #tpu.memory_space<vmem>> -> memref<50x32xf32, #tpu.memory_space<vmem>>
          tpu.wait_dma2 semaphore(%arg8 : memref<!tpu.dma_semaphore, #tpu.memory_space<semaphore_mem>>) src(%dma_wait3A_637 : memref<50x32xf32, #tpu.memory_space<vmem>>) dst(%dma_wait3A_634 : memref<50x32xf32, #tpu.memory_space<hbm>>)
        }
        %scan3A_613 = arith.constant 32 : i32
        %scan3A_614 = arith.constant 0 : i32
        %scan3A_615 = arith.constant 32 : i32
        %scan3A_616 = arith.addi %scan3A_614, %scan3A_615 : i32
        %scan3A_617 = arith.constant 1 : i32
        scf.for %scan3A_619 = %scan3A_614 to %scan3A_616 step %scan3A_617  : i32 {
          %mul3A_620 = arith.constant 1 : i32
          %mul3A_621 = arith.muli %scan3A_619, %mul3A_620 : i32
          %add3A_622 = arith.constant 0 : i32
          %add3A_623 = arith.addi %add3A_622, %mul3A_621 : i32
          %dma_wait3A_624 = arith.constant 0 : i32
          %dma_wait3A_625 = arith.constant 0 : i32
          %dma_wait3A_626 = tpu.memref_slice %arg6[%dma_wait3A_624, %dma_wait3A_625] : memref<3200x32xf32, #tpu.memory_space<vmem>> -> memref<50x32xf32, #tpu.memory_space<vmem>>
          %dma_wait3A_627 = arith.constant 0 : i32
          %dma_wait3A_628 = arith.constant 0 : i32
          %dma_wait3A_629 = tpu.memref_slice %arg4[%mul3A_2, %dma_wait3A_627, %dma_wait3A_628] : memref<16384x56x128xf32, #tpu.memory_space<hbm>> -> memref<1x50x32xf32, #tpu.memory_space<hbm>>
          %dma_wait3A_630 = tpu.memref_squeeze %dma_wait3A_629 : memref<1x50x32xf32, #tpu.memory_space<hbm>> -> memref<50x32xf32, #tpu.memory_space<hbm>>
          %dma_wait3A_631 = arith.constant 0 : i32
          %dma_wait3A_632 = arith.constant 0 : i32
          %dma_wait3A_633 = tpu.memref_slice %arg4[%mul3A_2, %dma_wait3A_631, %dma_wait3A_632] : memref<16384x56x128xf32, #tpu.memory_space<hbm>> -> memref<1x50x32xf32, #tpu.memory_space<hbm>>
          %dma_wait3A_634 = tpu.memref_squeeze %dma_wait3A_633 : memref<1x50x32xf32, #tpu.memory_space<hbm>> -> memref<50x32xf32, #tpu.memory_space<hbm>>
          %dma_wait3A_635 = arith.constant 0 : i32
          %dma_wait3A_636 = arith.constant 0 : i32
          %dma_wait3A_637 = tpu.memref_slice %arg6[%dma_wait3A_635, %dma_wait3A_636] : memref<3200x32xf32, #tpu.memory_space<vmem>> -> memref<50x32xf32, #tpu.memory_space<vmem>>
          tpu.wait_dma2 semaphore(%arg9 : memref<!tpu.dma_semaphore, #tpu.memory_space<semaphore_mem>>) src(%dma_wait3A_637 : memref<50x32xf32, #tpu.memory_space<vmem>>) dst(%dma_wait3A_634 : memref<50x32xf32, #tpu.memory_space<hbm>>)
        }
        %scan3A_618 = arith.constant 32 : i32
      } else {
      }
      %mul3A_26 = arith.constant 25 : i32
      %mul3A_27 = arith.muli %add3A_23, %mul3A_26 : i32
      %add3A_28 = arith.constant 0 : i32
      %add3A_29 = arith.addi %mul3A_27, %add3A_28 : i32
      %dma_start3A = arith.constant 0 : i32
      %dma_start3A_30 = arith.constant 0 : i32
      %dma_start3A_31 = tpu.memref_slice %arg6[%dma_start3A, %dma_start3A_30] : memref<3200x32xf32, #tpu.memory_space<vmem>> -> memref<128x32xf32, #tpu.memory_space<vmem>>
      %dma_start3A_32 = arith.constant 0 : i32
      %dma_start3A_33 = tpu.memref_slice %arg5[%add3A_29, %dma_start3A_32] : memref<200x128xi32, #tpu.memory_space<vmem>> -> memref<1x128xi32, #tpu.memory_space<vmem>>
      %dma_start3A_34 = tpu.memref_squeeze %dma_start3A_33 : memref<1x128xi32, #tpu.memory_space<vmem>> -> memref<128xi32, #tpu.memory_space<vmem>>
      %dma_start3A_35 = arith.constant 0 : i32
      %dma_start3A_36 = arith.constant 0 : i32
      %dma_start3A_37 = tpu.memref_slice %arg3[%dma_start3A_35, %dma_start3A_36] : memref<1000000x32xf32, #tpu.memory_space<hbm>> -> memref<1000000x32xf32, #tpu.memory_space<hbm>>
      tpu.enqueue_indirect_dma source(%dma_start3A_37 : memref<1000000x32xf32, #tpu.memory_space<hbm>>) target(%dma_start3A_31 : memref<128x32xf32, #tpu.memory_space<vmem>>) offsets(%dma_start3A_34 : memref<128xi32, #tpu.memory_space<vmem>>) semaphore(%arg7 : memref<!tpu.dma_semaphore, #tpu.memory_space<semaphore_mem>>)
      %mul3A_38 = arith.constant 25 : i32
      %mul3A_39 = arith.muli %add3A_23, %mul3A_38 : i32
      %add3A_40 = arith.constant 1 : i32
      %add3A_41 = arith.addi %mul3A_39, %add3A_40 : i32
      %dma_start3A_42 = arith.constant 128 : i32
      %dma_start3A_43 = arith.constant 0 : i32
      %dma_start3A_44 = tpu.memref_slice %arg6[%dma_start3A_42, %dma_start3A_43] : memref<3200x32xf32, #tpu.memory_space<vmem>> -> memref<128x32xf32, #tpu.memory_space<vmem>>
      %dma_start3A_45 = arith.constant 0 : i32
      %dma_start3A_46 = tpu.memref_slice %arg5[%add3A_41, %dma_start3A_45] : memref<200x128xi32, #tpu.memory_space<vmem>> -> memref<1x128xi32, #tpu.memory_space<vmem>>
      %dma_start3A_47 = tpu.memref_squeeze %dma_start3A_46 : memref<1x128xi32, #tpu.memory_space<vmem>> -> memref<128xi32, #tpu.memory_space<vmem>>
      %dma_start3A_48 = arith.constant 0 : i32
      %dma_start3A_49 = arith.constant 0 : i32
      %dma_start3A_50 = tpu.memref_slice %arg3[%dma_start3A_48, %dma_start3A_49] : memref<1000000x32xf32, #tpu.memory_space<hbm>> -> memref<1000000x32xf32, #tpu.memory_space<hbm>>
      tpu.enqueue_indirect_dma source(%dma_start3A_50 : memref<1000000x32xf32, #tpu.memory_space<hbm>>) target(%dma_start3A_44 : memref<128x32xf32, #tpu.memory_space<vmem>>) offsets(%dma_start3A_47 : memref<128xi32, #tpu.memory_space<vmem>>) semaphore(%arg7 : memref<!tpu.dma_semaphore, #tpu.memory_space<semaphore_mem>>)
      %mul3A_51 = arith.constant 25 : i32
      %mul3A_52 = arith.muli %add3A_23, %mul3A_51 : i32
      %add3A_53 = arith.constant 2 : i32
      %add3A_54 = arith.addi %mul3A_52, %add3A_53 : i32
      %dma_start3A_55 = arith.constant 256 : i32
      %dma_start3A_56 = arith.constant 0 : i32
      %dma_start3A_57 = tpu.memref_slice %arg6[%dma_start3A_55, %dma_start3A_56] : memref<3200x32xf32, #tpu.memory_space<vmem>> -> memref<128x32xf32, #tpu.memory_space<vmem>>
      %dma_start3A_58 = arith.constant 0 : i32
      %dma_start3A_59 = tpu.memref_slice %arg5[%add3A_54, %dma_start3A_58] : memref<200x128xi32, #tpu.memory_space<vmem>> -> memref<1x128xi32, #tpu.memory_space<vmem>>
      %dma_start3A_60 = tpu.memref_squeeze %dma_start3A_59 : memref<1x128xi32, #tpu.memory_space<vmem>> -> memref<128xi32, #tpu.memory_space<vmem>>
      %dma_start3A_61 = arith.constant 0 : i32
      %dma_start3A_62 = arith.constant 0 : i32
      %dma_start3A_63 = tpu.memref_slice %arg3[%dma_start3A_61, %dma_start3A_62] : memref<1000000x32xf32, #tpu.memory_space<hbm>> -> memref<1000000x32xf32, #tpu.memory_space<hbm>>
      tpu.enqueue_indirect_dma source(%dma_start3A_63 : memref<1000000x32xf32, #tpu.memory_space<hbm>>) target(%dma_start3A_57 : memref<128x32xf32, #tpu.memory_space<vmem>>) offsets(%dma_start3A_60 : memref<128xi32, #tpu.memory_space<vmem>>) semaphore(%arg7 : memref<!tpu.dma_semaphore, #tpu.memory_space<semaphore_mem>>)
      %mul3A_64 = arith.constant 25 : i32
      %mul3A_65 = arith.muli %add3A_23, %mul3A_64 : i32
      %add3A_66 = arith.constant 3 : i32
      %add3A_67 = arith.addi %mul3A_65, %add3A_66 : i32
      %dma_start3A_68 = arith.constant 384 : i32
      %dma_start3A_69 = arith.constant 0 : i32
      %dma_start3A_70 = tpu.memref_slice %arg6[%dma_start3A_68, %dma_start3A_69] : memref<3200x32xf32, #tpu.memory_space<vmem>> -> memref<128x32xf32, #tpu.memory_space<vmem>>
      %dma_start3A_71 = arith.constant 0 : i32
      %dma_start3A_72 = tpu.memref_slice %arg5[%add3A_67, %dma_start3A_71] : memref<200x128xi32, #tpu.memory_space<vmem>> -> memref<1x128xi32, #tpu.memory_space<vmem>>
      %dma_start3A_73 = tpu.memref_squeeze %dma_start3A_72 : memref<1x128xi32, #tpu.memory_space<vmem>> -> memref<128xi32, #tpu.memory_space<vmem>>
      %dma_start3A_74 = arith.constant 0 : i32
      %dma_start3A_75 = arith.constant 0 : i32
      %dma_start3A_76 = tpu.memref_slice %arg3[%dma_start3A_74, %dma_start3A_75] : memref<1000000x32xf32, #tpu.memory_space<hbm>> -> memref<1000000x32xf32, #tpu.memory_space<hbm>>
      tpu.enqueue_indirect_dma source(%dma_start3A_76 : memref<1000000x32xf32, #tpu.memory_space<hbm>>) target(%dma_start3A_70 : memref<128x32xf32, #tpu.memory_space<vmem>>) offsets(%dma_start3A_73 : memref<128xi32, #tpu.memory_space<vmem>>) semaphore(%arg7 : memref<!tpu.dma_semaphore, #tpu.memory_space<semaphore_mem>>)
      %mul3A_77 = arith.constant 25 : i32
      %mul3A_78 = arith.muli %add3A_23, %mul3A_77 : i32
      %add3A_79 = arith.constant 4 : i32
      %add3A_80 = arith.addi %mul3A_78, %add3A_79 : i32
      %dma_start3A_81 = arith.constant 512 : i32
      %dma_start3A_82 = arith.constant 0 : i32
      %dma_start3A_83 = tpu.memref_slice %arg6[%dma_start3A_81, %dma_start3A_82] : memref<3200x32xf32, #tpu.memory_space<vmem>> -> memref<128x32xf32, #tpu.memory_space<vmem>>
      %dma_start3A_84 = arith.constant 0 : i32
      %dma_start3A_85 = tpu.memref_slice %arg5[%add3A_80, %dma_start3A_84] : memref<200x128xi32, #tpu.memory_space<vmem>> -> memref<1x128xi32, #tpu.memory_space<vmem>>
      %dma_start3A_86 = tpu.memref_squeeze %dma_start3A_85 : memref<1x128xi32, #tpu.memory_space<vmem>> -> memref<128xi32, #tpu.memory_space<vmem>>
      %dma_start3A_87 = arith.constant 0 : i32
      %dma_start3A_88 = arith.constant 0 : i32
      %dma_start3A_89 = tpu.memref_slice %arg3[%dma_start3A_87, %dma_start3A_88] : memref<1000000x32xf32, #tpu.memory_space<hbm>> -> memref<1000000x32xf32, #tpu.memory_space<hbm>>
      tpu.enqueue_indirect_dma source(%dma_start3A_89 : memref<1000000x32xf32, #tpu.memory_space<hbm>>) target(%dma_start3A_83 : memref<128x32xf32, #tpu.memory_space<vmem>>) offsets(%dma_start3A_86 : memref<128xi32, #tpu.memory_space<vmem>>) semaphore(%arg7 : memref<!tpu.dma_semaphore, #tpu.memory_space<semaphore_mem>>)
      %mul3A_90 = arith.constant 25 : i32
      %mul3A_91 = arith.muli %add3A_23, %mul3A_90 : i32
      %add3A_92 = arith.constant 5 : i32
      %add3A_93 = arith.addi %mul3A_91, %add3A_92 : i32
      %dma_start3A_94 = arith.constant 640 : i32
      %dma_start3A_95 = arith.constant 0 : i32
      %dma_start3A_96 = tpu.memref_slice %arg6[%dma_start3A_94, %dma_start3A_95] : memref<3200x32xf32, #tpu.memory_space<vmem>> -> memref<128x32xf32, #tpu.memory_space<vmem>>
      %dma_start3A_97 = arith.constant 0 : i32
      %dma_start3A_98 = tpu.memref_slice %arg5[%add3A_93, %dma_start3A_97] : memref<200x128xi32, #tpu.memory_space<vmem>> -> memref<1x128xi32, #tpu.memory_space<vmem>>
      %dma_start3A_99 = tpu.memref_squeeze %dma_start3A_98 : memref<1x128xi32, #tpu.memory_space<vmem>> -> memref<128xi32, #tpu.memory_space<vmem>>
      %dma_start3A_100 = arith.constant 0 : i32
      %dma_start3A_101 = arith.constant 0 : i32
      %dma_start3A_102 = tpu.memref_slice %arg3[%dma_start3A_100, %dma_start3A_101] : memref<1000000x32xf32, #tpu.memory_space<hbm>> -> memref<1000000x32xf32, #tpu.memory_space<hbm>>
      tpu.enqueue_indirect_dma source(%dma_start3A_102 : memref<1000000x32xf32, #tpu.memory_space<hbm>>) target(%dma_start3A_96 : memref<128x32xf32, #tpu.memory_space<vmem>>) offsets(%dma_start3A_99 : memref<128xi32, #tpu.memory_space<vmem>>) semaphore(%arg7 : memref<!tpu.dma_semaphore, #tpu.memory_space<semaphore_mem>>)
      %mul3A_103 = arith.constant 25 : i32
      %mul3A_104 = arith.muli %add3A_23, %mul3A_103 : i32
      %add3A_105 = arith.constant 6 : i32
      %add3A_106 = arith.addi %mul3A_104, %add3A_105 : i32
      %dma_start3A_107 = arith.constant 768 : i32
      %dma_start3A_108 = arith.constant 0 : i32
      %dma_start3A_109 = tpu.memref_slice %arg6[%dma_start3A_107, %dma_start3A_108] : memref<3200x32xf32, #tpu.memory_space<vmem>> -> memref<128x32xf32, #tpu.memory_space<vmem>>
      %dma_start3A_110 = arith.constant 0 : i32
      %dma_start3A_111 = tpu.memref_slice %arg5[%add3A_106, %dma_start3A_110] : memref<200x128xi32, #tpu.memory_space<vmem>> -> memref<1x128xi32, #tpu.memory_space<vmem>>
      %dma_start3A_112 = tpu.memref_squeeze %dma_start3A_111 : memref<1x128xi32, #tpu.memory_space<vmem>> -> memref<128xi32, #tpu.memory_space<vmem>>
      %dma_start3A_113 = arith.constant 0 : i32
      %dma_start3A_114 = arith.constant 0 : i32
      %dma_start3A_115 = tpu.memref_slice %arg3[%dma_start3A_113, %dma_start3A_114] : memref<1000000x32xf32, #tpu.memory_space<hbm>> -> memref<1000000x32xf32, #tpu.memory_space<hbm>>
      tpu.enqueue_indirect_dma source(%dma_start3A_115 : memref<1000000x32xf32, #tpu.memory_space<hbm>>) target(%dma_start3A_109 : memref<128x32xf32, #tpu.memory_space<vmem>>) offsets(%dma_start3A_112 : memref<128xi32, #tpu.memory_space<vmem>>) semaphore(%arg7 : memref<!tpu.dma_semaphore, #tpu.memory_space<semaphore_mem>>)
      %mul3A_116 = arith.constant 25 : i32
      %mul3A_117 = arith.muli %add3A_23, %mul3A_116 : i32
      %add3A_118 = arith.constant 7 : i32
      %add3A_119 = arith.addi %mul3A_117, %add3A_118 : i32
      %dma_start3A_120 = arith.constant 896 : i32
      %dma_start3A_121 = arith.constant 0 : i32
      %dma_start3A_122 = tpu.memref_slice %arg6[%dma_start3A_120, %dma_start3A_121] : memref<3200x32xf32, #tpu.memory_space<vmem>> -> memref<128x32xf32, #tpu.memory_space<vmem>>
      %dma_start3A_123 = arith.constant 0 : i32
      %dma_start3A_124 = tpu.memref_slice %arg5[%add3A_119, %dma_start3A_123] : memref<200x128xi32, #tpu.memory_space<vmem>> -> memref<1x128xi32, #tpu.memory_space<vmem>>
      %dma_start3A_125 = tpu.memref_squeeze %dma_start3A_124 : memref<1x128xi32, #tpu.memory_space<vmem>> -> memref<128xi32, #tpu.memory_space<vmem>>
      %dma_start3A_126 = arith.constant 0 : i32
      %dma_start3A_127 = arith.constant 0 : i32
      %dma_start3A_128 = tpu.memref_slice %arg3[%dma_start3A_126, %dma_start3A_127] : memref<1000000x32xf32, #tpu.memory_space<hbm>> -> memref<1000000x32xf32, #tpu.memory_space<hbm>>
      tpu.enqueue_indirect_dma source(%dma_start3A_128 : memref<1000000x32xf32, #tpu.memory_space<hbm>>) target(%dma_start3A_122 : memref<128x32xf32, #tpu.memory_space<vmem>>) offsets(%dma_start3A_125 : memref<128xi32, #tpu.memory_space<vmem>>) semaphore(%arg7 : memref<!tpu.dma_semaphore, #tpu.memory_space<semaphore_mem>>)
      %mul3A_129 = arith.constant 25 : i32
      %mul3A_130 = arith.muli %add3A_23, %mul3A_129 : i32
      %add3A_131 = arith.constant 8 : i32
      %add3A_132 = arith.addi %mul3A_130, %add3A_131 : i32
      %dma_start3A_133 = arith.constant 1024 : i32
      %dma_start3A_134 = arith.constant 0 : i32
      %dma_start3A_135 = tpu.memref_slice %arg6[%dma_start3A_133, %dma_start3A_134] : memref<3200x32xf32, #tpu.memory_space<vmem>> -> memref<128x32xf32, #tpu.memory_space<vmem>>
      %dma_start3A_136 = arith.constant 0 : i32
      %dma_start3A_137 = tpu.memref_slice %arg5[%add3A_132, %dma_start3A_136] : memref<200x128xi32, #tpu.memory_space<vmem>> -> memref<1x128xi32, #tpu.memory_space<vmem>>
      %dma_start3A_138 = tpu.memref_squeeze %dma_start3A_137 : memref<1x128xi32, #tpu.memory_space<vmem>> -> memref<128xi32, #tpu.memory_space<vmem>>
      %dma_start3A_139 = arith.constant 0 : i32
      %dma_start3A_140 = arith.constant 0 : i32
      %dma_start3A_141 = tpu.memref_slice %arg3[%dma_start3A_139, %dma_start3A_140] : memref<1000000x32xf32, #tpu.memory_space<hbm>> -> memref<1000000x32xf32, #tpu.memory_space<hbm>>
      tpu.enqueue_indirect_dma source(%dma_start3A_141 : memref<1000000x32xf32, #tpu.memory_space<hbm>>) target(%dma_start3A_135 : memref<128x32xf32, #tpu.memory_space<vmem>>) offsets(%dma_start3A_138 : memref<128xi32, #tpu.memory_space<vmem>>) semaphore(%arg7 : memref<!tpu.dma_semaphore, #tpu.memory_space<semaphore_mem>>)
      %mul3A_142 = arith.constant 25 : i32
      %mul3A_143 = arith.muli %add3A_23, %mul3A_142 : i32
      %add3A_144 = arith.constant 9 : i32
      %add3A_145 = arith.addi %mul3A_143, %add3A_144 : i32
      %dma_start3A_146 = arith.constant 1152 : i32
      %dma_start3A_147 = arith.constant 0 : i32
      %dma_start3A_148 = tpu.memref_slice %arg6[%dma_start3A_146, %dma_start3A_147] : memref<3200x32xf32, #tpu.memory_space<vmem>> -> memref<128x32xf32, #tpu.memory_space<vmem>>
      %dma_start3A_149 = arith.constant 0 : i32
      %dma_start3A_150 = tpu.memref_slice %arg5[%add3A_145, %dma_start3A_149] : memref<200x128xi32, #tpu.memory_space<vmem>> -> memref<1x128xi32, #tpu.memory_space<vmem>>
      %dma_start3A_151 = tpu.memref_squeeze %dma_start3A_150 : memref<1x128xi32, #tpu.memory_space<vmem>> -> memref<128xi32, #tpu.memory_space<vmem>>
      %dma_start3A_152 = arith.constant 0 : i32
      %dma_start3A_153 = arith.constant 0 : i32
      %dma_start3A_154 = tpu.memref_slice %arg3[%dma_start3A_152, %dma_start3A_153] : memref<1000000x32xf32, #tpu.memory_space<hbm>> -> memref<1000000x32xf32, #tpu.memory_space<hbm>>
      tpu.enqueue_indirect_dma source(%dma_start3A_154 : memref<1000000x32xf32, #tpu.memory_space<hbm>>) target(%dma_start3A_148 : memref<128x32xf32, #tpu.memory_space<vmem>>) offsets(%dma_start3A_151 : memref<128xi32, #tpu.memory_space<vmem>>) semaphore(%arg7 : memref<!tpu.dma_semaphore, #tpu.memory_space<semaphore_mem>>)
      %mul3A_155 = arith.constant 25 : i32
      %mul3A_156 = arith.muli %add3A_23, %mul3A_155 : i32
      %add3A_157 = arith.constant 10 : i32
      %add3A_158 = arith.addi %mul3A_156, %add3A_157 : i32
      %dma_start3A_159 = arith.constant 1280 : i32
      %dma_start3A_160 = arith.constant 0 : i32
      %dma_start3A_161 = tpu.memref_slice %arg6[%dma_start3A_159, %dma_start3A_160] : memref<3200x32xf32, #tpu.memory_space<vmem>> -> memref<128x32xf32, #tpu.memory_space<vmem>>
      %dma_start3A_162 = arith.constant 0 : i32
      %dma_start3A_163 = tpu.memref_slice %arg5[%add3A_158, %dma_start3A_162] : memref<200x128xi32, #tpu.memory_space<vmem>> -> memref<1x128xi32, #tpu.memory_space<vmem>>
      %dma_start3A_164 = tpu.memref_squeeze %dma_start3A_163 : memref<1x128xi32, #tpu.memory_space<vmem>> -> memref<128xi32, #tpu.memory_space<vmem>>
      %dma_start3A_165 = arith.constant 0 : i32
      %dma_start3A_166 = arith.constant 0 : i32
      %dma_start3A_167 = tpu.memref_slice %arg3[%dma_start3A_165, %dma_start3A_166] : memref<1000000x32xf32, #tpu.memory_space<hbm>> -> memref<1000000x32xf32, #tpu.memory_space<hbm>>
      tpu.enqueue_indirect_dma source(%dma_start3A_167 : memref<1000000x32xf32, #tpu.memory_space<hbm>>) target(%dma_start3A_161 : memref<128x32xf32, #tpu.memory_space<vmem>>) offsets(%dma_start3A_164 : memref<128xi32, #tpu.memory_space<vmem>>) semaphore(%arg7 : memref<!tpu.dma_semaphore, #tpu.memory_space<semaphore_mem>>)
      %mul3A_168 = arith.constant 25 : i32
      %mul3A_169 = arith.muli %add3A_23, %mul3A_168 : i32
      %add3A_170 = arith.constant 11 : i32
      %add3A_171 = arith.addi %mul3A_169, %add3A_170 : i32
      %dma_start3A_172 = arith.constant 1408 : i32
      %dma_start3A_173 = arith.constant 0 : i32
      %dma_start3A_174 = tpu.memref_slice %arg6[%dma_start3A_172, %dma_start3A_173] : memref<3200x32xf32, #tpu.memory_space<vmem>> -> memref<128x32xf32, #tpu.memory_space<vmem>>
      %dma_start3A_175 = arith.constant 0 : i32
      %dma_start3A_176 = tpu.memref_slice %arg5[%add3A_171, %dma_start3A_175] : memref<200x128xi32, #tpu.memory_space<vmem>> -> memref<1x128xi32, #tpu.memory_space<vmem>>
      %dma_start3A_177 = tpu.memref_squeeze %dma_start3A_176 : memref<1x128xi32, #tpu.memory_space<vmem>> -> memref<128xi32, #tpu.memory_space<vmem>>
      %dma_start3A_178 = arith.constant 0 : i32
      %dma_start3A_179 = arith.constant 0 : i32
      %dma_start3A_180 = tpu.memref_slice %arg3[%dma_start3A_178, %dma_start3A_179] : memref<1000000x32xf32, #tpu.memory_space<hbm>> -> memref<1000000x32xf32, #tpu.memory_space<hbm>>
      tpu.enqueue_indirect_dma source(%dma_start3A_180 : memref<1000000x32xf32, #tpu.memory_space<hbm>>) target(%dma_start3A_174 : memref<128x32xf32, #tpu.memory_space<vmem>>) offsets(%dma_start3A_177 : memref<128xi32, #tpu.memory_space<vmem>>) semaphore(%arg7 : memref<!tpu.dma_semaphore, #tpu.memory_space<semaphore_mem>>)
      %mul3A_181 = arith.constant 25 : i32
      %mul3A_182 = arith.muli %add3A_23, %mul3A_181 : i32
      %add3A_183 = arith.constant 12 : i32
      %add3A_184 = arith.addi %mul3A_182, %add3A_183 : i32
      %dma_start3A_185 = arith.constant 1536 : i32
      %dma_start3A_186 = arith.constant 0 : i32
      %dma_start3A_187 = tpu.memref_slice %arg6[%dma_start3A_185, %dma_start3A_186] : memref<3200x32xf32, #tpu.memory_space<vmem>> -> memref<128x32xf32, #tpu.memory_space<vmem>>
      %dma_start3A_188 = arith.constant 0 : i32
      %dma_start3A_189 = tpu.memref_slice %arg5[%add3A_184, %dma_start3A_188] : memref<200x128xi32, #tpu.memory_space<vmem>> -> memref<1x128xi32, #tpu.memory_space<vmem>>
      %dma_start3A_190 = tpu.memref_squeeze %dma_start3A_189 : memref<1x128xi32, #tpu.memory_space<vmem>> -> memref<128xi32, #tpu.memory_space<vmem>>
      %dma_start3A_191 = arith.constant 0 : i32
      %dma_start3A_192 = arith.constant 0 : i32
      %dma_start3A_193 = tpu.memref_slice %arg3[%dma_start3A_191, %dma_start3A_192] : memref<1000000x32xf32, #tpu.memory_space<hbm>> -> memref<1000000x32xf32, #tpu.memory_space<hbm>>
      tpu.enqueue_indirect_dma source(%dma_start3A_193 : memref<1000000x32xf32, #tpu.memory_space<hbm>>) target(%dma_start3A_187 : memref<128x32xf32, #tpu.memory_space<vmem>>) offsets(%dma_start3A_190 : memref<128xi32, #tpu.memory_space<vmem>>) semaphore(%arg7 : memref<!tpu.dma_semaphore, #tpu.memory_space<semaphore_mem>>)
      %dma_wait3A = arith.constant 0 : i32
      %dma_wait3A_194 = arith.constant 0 : i32
      %dma_wait3A_195 = arith.constant 0 : i32
      %dma_wait3A_196 = tpu.memref_slice %arg6[%dma_wait3A_194, %dma_wait3A_195] : memref<3200x32xf32, #tpu.memory_space<vmem>> -> memref<128x32xf32, #tpu.memory_space<vmem>>
      %dma_wait3A_197 = arith.constant 0 : i32
      %dma_wait3A_198 = tpu.memref_slice %arg5[%dma_wait3A, %dma_wait3A_197] : memref<200x128xi32, #tpu.memory_space<vmem>> -> memref<1x128xi32, #tpu.memory_space<vmem>>
      %dma_wait3A_199 = tpu.memref_squeeze %dma_wait3A_198 : memref<1x128xi32, #tpu.memory_space<vmem>> -> memref<128xi32, #tpu.memory_space<vmem>>
      %dma_wait3A_200 = arith.constant 0 : i32
      %dma_wait3A_201 = arith.constant 0 : i32
      %dma_wait3A_202 = tpu.memref_slice %arg3[%dma_wait3A_200, %dma_wait3A_201] : memref<1000000x32xf32, #tpu.memory_space<hbm>> -> memref<1000000x32xf32, #tpu.memory_space<hbm>>
      tpu.wait_indirect_dma semaphore(%arg7 : memref<!tpu.dma_semaphore, #tpu.memory_space<semaphore_mem>>) src(%dma_wait3A_202 : memref<1000000x32xf32, #tpu.memory_space<hbm>>) dst(%dma_wait3A_196 : memref<128x32xf32, #tpu.memory_space<vmem>>)
      %dma_wait3A_203 = arith.constant 1 : i32
      %dma_wait3A_204 = arith.constant 128 : i32
      %dma_wait3A_205 = arith.constant 0 : i32
      %dma_wait3A_206 = tpu.memref_slice %arg6[%dma_wait3A_204, %dma_wait3A_205] : memref<3200x32xf32, #tpu.memory_space<vmem>> -> memref<128x32xf32, #tpu.memory_space<vmem>>
      %dma_wait3A_207 = arith.constant 0 : i32
      %dma_wait3A_208 = tpu.memref_slice %arg5[%dma_wait3A_203, %dma_wait3A_207] : memref<200x128xi32, #tpu.memory_space<vmem>> -> memref<1x128xi32, #tpu.memory_space<vmem>>
      %dma_wait3A_209 = tpu.memref_squeeze %dma_wait3A_208 : memref<1x128xi32, #tpu.memory_space<vmem>> -> memref<128xi32, #tpu.memory_space<vmem>>
      %dma_wait3A_210 = arith.constant 0 : i32
      %dma_wait3A_211 = arith.constant 0 : i32
      %dma_wait3A_212 = tpu.memref_slice %arg3[%dma_wait3A_210, %dma_wait3A_211] : memref<1000000x32xf32, #tpu.memory_space<hbm>> -> memref<1000000x32xf32, #tpu.memory_space<hbm>>
      tpu.wait_indirect_dma semaphore(%arg7 : memref<!tpu.dma_semaphore, #tpu.memory_space<semaphore_mem>>) src(%dma_wait3A_212 : memref<1000000x32xf32, #tpu.memory_space<hbm>>) dst(%dma_wait3A_206 : memref<128x32xf32, #tpu.memory_space<vmem>>)
      %dma_wait3A_213 = arith.constant 2 : i32
      %dma_wait3A_214 = arith.constant 256 : i32
      %dma_wait3A_215 = arith.constant 0 : i32
      %dma_wait3A_216 = tpu.memref_slice %arg6[%dma_wait3A_214, %dma_wait3A_215] : memref<3200x32xf32, #tpu.memory_space<vmem>> -> memref<128x32xf32, #tpu.memory_space<vmem>>
      %dma_wait3A_217 = arith.constant 0 : i32
      %dma_wait3A_218 = tpu.memref_slice %arg5[%dma_wait3A_213, %dma_wait3A_217] : memref<200x128xi32, #tpu.memory_space<vmem>> -> memref<1x128xi32, #tpu.memory_space<vmem>>
      %dma_wait3A_219 = tpu.memref_squeeze %dma_wait3A_218 : memref<1x128xi32, #tpu.memory_space<vmem>> -> memref<128xi32, #tpu.memory_space<vmem>>
      %dma_wait3A_220 = arith.constant 0 : i32
      %dma_wait3A_221 = arith.constant 0 : i32
      %dma_wait3A_222 = tpu.memref_slice %arg3[%dma_wait3A_220, %dma_wait3A_221] : memref<1000000x32xf32, #tpu.memory_space<hbm>> -> memref<1000000x32xf32, #tpu.memory_space<hbm>>
      tpu.wait_indirect_dma semaphore(%arg7 : memref<!tpu.dma_semaphore, #tpu.memory_space<semaphore_mem>>) src(%dma_wait3A_222 : memref<1000000x32xf32, #tpu.memory_space<hbm>>) dst(%dma_wait3A_216 : memref<128x32xf32, #tpu.memory_space<vmem>>)
      %dma_wait3A_223 = arith.constant 3 : i32
      %dma_wait3A_224 = arith.constant 384 : i32
      %dma_wait3A_225 = arith.constant 0 : i32
      %dma_wait3A_226 = tpu.memref_slice %arg6[%dma_wait3A_224, %dma_wait3A_225] : memref<3200x32xf32, #tpu.memory_space<vmem>> -> memref<128x32xf32, #tpu.memory_space<vmem>>
      %dma_wait3A_227 = arith.constant 0 : i32
      %dma_wait3A_228 = tpu.memref_slice %arg5[%dma_wait3A_223, %dma_wait3A_227] : memref<200x128xi32, #tpu.memory_space<vmem>> -> memref<1x128xi32, #tpu.memory_space<vmem>>
      %dma_wait3A_229 = tpu.memref_squeeze %dma_wait3A_228 : memref<1x128xi32, #tpu.memory_space<vmem>> -> memref<128xi32, #tpu.memory_space<vmem>>
      %dma_wait3A_230 = arith.constant 0 : i32
      %dma_wait3A_231 = arith.constant 0 : i32
      %dma_wait3A_232 = tpu.memref_slice %arg3[%dma_wait3A_230, %dma_wait3A_231] : memref<1000000x32xf32, #tpu.memory_space<hbm>> -> memref<1000000x32xf32, #tpu.memory_space<hbm>>
      tpu.wait_indirect_dma semaphore(%arg7 : memref<!tpu.dma_semaphore, #tpu.memory_space<semaphore_mem>>) src(%dma_wait3A_232 : memref<1000000x32xf32, #tpu.memory_space<hbm>>) dst(%dma_wait3A_226 : memref<128x32xf32, #tpu.memory_space<vmem>>)
      %dma_wait3A_233 = arith.constant 4 : i32
      %dma_wait3A_234 = arith.constant 512 : i32
      %dma_wait3A_235 = arith.constant 0 : i32
      %dma_wait3A_236 = tpu.memref_slice %arg6[%dma_wait3A_234, %dma_wait3A_235] : memref<3200x32xf32, #tpu.memory_space<vmem>> -> memref<128x32xf32, #tpu.memory_space<vmem>>
      %dma_wait3A_237 = arith.constant 0 : i32
      %dma_wait3A_238 = tpu.memref_slice %arg5[%dma_wait3A_233, %dma_wait3A_237] : memref<200x128xi32, #tpu.memory_space<vmem>> -> memref<1x128xi32, #tpu.memory_space<vmem>>
      %dma_wait3A_239 = tpu.memref_squeeze %dma_wait3A_238 : memref<1x128xi32, #tpu.memory_space<vmem>> -> memref<128xi32, #tpu.memory_space<vmem>>
      %dma_wait3A_240 = arith.constant 0 : i32
      %dma_wait3A_241 = arith.constant 0 : i32
      %dma_wait3A_242 = tpu.memref_slice %arg3[%dma_wait3A_240, %dma_wait3A_241] : memref<1000000x32xf32, #tpu.memory_space<hbm>> -> memref<1000000x32xf32, #tpu.memory_space<hbm>>
      tpu.wait_indirect_dma semaphore(%arg7 : memref<!tpu.dma_semaphore, #tpu.memory_space<semaphore_mem>>) src(%dma_wait3A_242 : memref<1000000x32xf32, #tpu.memory_space<hbm>>) dst(%dma_wait3A_236 : memref<128x32xf32, #tpu.memory_space<vmem>>)
      %dma_wait3A_243 = arith.constant 5 : i32
      %dma_wait3A_244 = arith.constant 640 : i32
      %dma_wait3A_245 = arith.constant 0 : i32
      %dma_wait3A_246 = tpu.memref_slice %arg6[%dma_wait3A_244, %dma_wait3A_245] : memref<3200x32xf32, #tpu.memory_space<vmem>> -> memref<128x32xf32, #tpu.memory_space<vmem>>
      %dma_wait3A_247 = arith.constant 0 : i32
      %dma_wait3A_248 = tpu.memref_slice %arg5[%dma_wait3A_243, %dma_wait3A_247] : memref<200x128xi32, #tpu.memory_space<vmem>> -> memref<1x128xi32, #tpu.memory_space<vmem>>
      %dma_wait3A_249 = tpu.memref_squeeze %dma_wait3A_248 : memref<1x128xi32, #tpu.memory_space<vmem>> -> memref<128xi32, #tpu.memory_space<vmem>>
      %dma_wait3A_250 = arith.constant 0 : i32
      %dma_wait3A_251 = arith.constant 0 : i32
      %dma_wait3A_252 = tpu.memref_slice %arg3[%dma_wait3A_250, %dma_wait3A_251] : memref<1000000x32xf32, #tpu.memory_space<hbm>> -> memref<1000000x32xf32, #tpu.memory_space<hbm>>
      tpu.wait_indirect_dma semaphore(%arg7 : memref<!tpu.dma_semaphore, #tpu.memory_space<semaphore_mem>>) src(%dma_wait3A_252 : memref<1000000x32xf32, #tpu.memory_space<hbm>>) dst(%dma_wait3A_246 : memref<128x32xf32, #tpu.memory_space<vmem>>)
      %dma_wait3A_253 = arith.constant 6 : i32
      %dma_wait3A_254 = arith.constant 768 : i32
      %dma_wait3A_255 = arith.constant 0 : i32
      %dma_wait3A_256 = tpu.memref_slice %arg6[%dma_wait3A_254, %dma_wait3A_255] : memref<3200x32xf32, #tpu.memory_space<vmem>> -> memref<128x32xf32, #tpu.memory_space<vmem>>
      %dma_wait3A_257 = arith.constant 0 : i32
      %dma_wait3A_258 = tpu.memref_slice %arg5[%dma_wait3A_253, %dma_wait3A_257] : memref<200x128xi32, #tpu.memory_space<vmem>> -> memref<1x128xi32, #tpu.memory_space<vmem>>
      %dma_wait3A_259 = tpu.memref_squeeze %dma_wait3A_258 : memref<1x128xi32, #tpu.memory_space<vmem>> -> memref<128xi32, #tpu.memory_space<vmem>>
      %dma_wait3A_260 = arith.constant 0 : i32
      %dma_wait3A_261 = arith.constant 0 : i32
      %dma_wait3A_262 = tpu.memref_slice %arg3[%dma_wait3A_260, %dma_wait3A_261] : memref<1000000x32xf32, #tpu.memory_space<hbm>> -> memref<1000000x32xf32, #tpu.memory_space<hbm>>
      tpu.wait_indirect_dma semaphore(%arg7 : memref<!tpu.dma_semaphore, #tpu.memory_space<semaphore_mem>>) src(%dma_wait3A_262 : memref<1000000x32xf32, #tpu.memory_space<hbm>>) dst(%dma_wait3A_256 : memref<128x32xf32, #tpu.memory_space<vmem>>)
      %dma_wait3A_263 = arith.constant 7 : i32
      %dma_wait3A_264 = arith.constant 896 : i32
      %dma_wait3A_265 = arith.constant 0 : i32
      %dma_wait3A_266 = tpu.memref_slice %arg6[%dma_wait3A_264, %dma_wait3A_265] : memref<3200x32xf32, #tpu.memory_space<vmem>> -> memref<128x32xf32, #tpu.memory_space<vmem>>
      %dma_wait3A_267 = arith.constant 0 : i32
      %dma_wait3A_268 = tpu.memref_slice %arg5[%dma_wait3A_263, %dma_wait3A_267] : memref<200x128xi32, #tpu.memory_space<vmem>> -> memref<1x128xi32, #tpu.memory_space<vmem>>
      %dma_wait3A_269 = tpu.memref_squeeze %dma_wait3A_268 : memref<1x128xi32, #tpu.memory_space<vmem>> -> memref<128xi32, #tpu.memory_space<vmem>>
      %dma_wait3A_270 = arith.constant 0 : i32
      %dma_wait3A_271 = arith.constant 0 : i32
      %dma_wait3A_272 = tpu.memref_slice %arg3[%dma_wait3A_270, %dma_wait3A_271] : memref<1000000x32xf32, #tpu.memory_space<hbm>> -> memref<1000000x32xf32, #tpu.memory_space<hbm>>
      tpu.wait_indirect_dma semaphore(%arg7 : memref<!tpu.dma_semaphore, #tpu.memory_space<semaphore_mem>>) src(%dma_wait3A_272 : memref<1000000x32xf32, #tpu.memory_space<hbm>>) dst(%dma_wait3A_266 : memref<128x32xf32, #tpu.memory_space<vmem>>)
      %dma_wait3A_273 = arith.constant 8 : i32
      %dma_wait3A_274 = arith.constant 1024 : i32
      %dma_wait3A_275 = arith.constant 0 : i32
      %dma_wait3A_276 = tpu.memref_slice %arg6[%dma_wait3A_274, %dma_wait3A_275] : memref<3200x32xf32, #tpu.memory_space<vmem>> -> memref<128x32xf32, #tpu.memory_space<vmem>>
      %dma_wait3A_277 = arith.constant 0 : i32
      %dma_wait3A_278 = tpu.memref_slice %arg5[%dma_wait3A_273, %dma_wait3A_277] : memref<200x128xi32, #tpu.memory_space<vmem>> -> memref<1x128xi32, #tpu.memory_space<vmem>>
      %dma_wait3A_279 = tpu.memref_squeeze %dma_wait3A_278 : memref<1x128xi32, #tpu.memory_space<vmem>> -> memref<128xi32, #tpu.memory_space<vmem>>
      %dma_wait3A_280 = arith.constant 0 : i32
      %dma_wait3A_281 = arith.constant 0 : i32
      %dma_wait3A_282 = tpu.memref_slice %arg3[%dma_wait3A_280, %dma_wait3A_281] : memref<1000000x32xf32, #tpu.memory_space<hbm>> -> memref<1000000x32xf32, #tpu.memory_space<hbm>>
      tpu.wait_indirect_dma semaphore(%arg7 : memref<!tpu.dma_semaphore, #tpu.memory_space<semaphore_mem>>) src(%dma_wait3A_282 : memref<1000000x32xf32, #tpu.memory_space<hbm>>) dst(%dma_wait3A_276 : memref<128x32xf32, #tpu.memory_space<vmem>>)
      %dma_wait3A_283 = arith.constant 9 : i32
      %dma_wait3A_284 = arith.constant 1152 : i32
      %dma_wait3A_285 = arith.constant 0 : i32
      %dma_wait3A_286 = tpu.memref_slice %arg6[%dma_wait3A_284, %dma_wait3A_285] : memref<3200x32xf32, #tpu.memory_space<vmem>> -> memref<128x32xf32, #tpu.memory_space<vmem>>
      %dma_wait3A_287 = arith.constant 0 : i32
      %dma_wait3A_288 = tpu.memref_slice %arg5[%dma_wait3A_283, %dma_wait3A_287] : memref<200x128xi32, #tpu.memory_space<vmem>> -> memref<1x128xi32, #tpu.memory_space<vmem>>
      %dma_wait3A_289 = tpu.memref_squeeze %dma_wait3A_288 : memref<1x128xi32, #tpu.memory_space<vmem>> -> memref<128xi32, #tpu.memory_space<vmem>>
      %dma_wait3A_290 = arith.constant 0 : i32
      %dma_wait3A_291 = arith.constant 0 : i32
      %dma_wait3A_292 = tpu.memref_slice %arg3[%dma_wait3A_290, %dma_wait3A_291] : memref<1000000x32xf32, #tpu.memory_space<hbm>> -> memref<1000000x32xf32, #tpu.memory_space<hbm>>
      tpu.wait_indirect_dma semaphore(%arg7 : memref<!tpu.dma_semaphore, #tpu.memory_space<semaphore_mem>>) src(%dma_wait3A_292 : memref<1000000x32xf32, #tpu.memory_space<hbm>>) dst(%dma_wait3A_286 : memref<128x32xf32, #tpu.memory_space<vmem>>)
      %dma_wait3A_293 = arith.constant 10 : i32
      %dma_wait3A_294 = arith.constant 1280 : i32
      %dma_wait3A_295 = arith.constant 0 : i32
      %dma_wait3A_296 = tpu.memref_slice %arg6[%dma_wait3A_294, %dma_wait3A_295] : memref<3200x32xf32, #tpu.memory_space<vmem>> -> memref<128x32xf32, #tpu.memory_space<vmem>>
      %dma_wait3A_297 = arith.constant 0 : i32
      %dma_wait3A_298 = tpu.memref_slice %arg5[%dma_wait3A_293, %dma_wait3A_297] : memref<200x128xi32, #tpu.memory_space<vmem>> -> memref<1x128xi32, #tpu.memory_space<vmem>>
      %dma_wait3A_299 = tpu.memref_squeeze %dma_wait3A_298 : memref<1x128xi32, #tpu.memory_space<vmem>> -> memref<128xi32, #tpu.memory_space<vmem>>
      %dma_wait3A_300 = arith.constant 0 : i32
      %dma_wait3A_301 = arith.constant 0 : i32
      %dma_wait3A_302 = tpu.memref_slice %arg3[%dma_wait3A_300, %dma_wait3A_301] : memref<1000000x32xf32, #tpu.memory_space<hbm>> -> memref<1000000x32xf32, #tpu.memory_space<hbm>>
      tpu.wait_indirect_dma semaphore(%arg7 : memref<!tpu.dma_semaphore, #tpu.memory_space<semaphore_mem>>) src(%dma_wait3A_302 : memref<1000000x32xf32, #tpu.memory_space<hbm>>) dst(%dma_wait3A_296 : memref<128x32xf32, #tpu.memory_space<vmem>>)
      %dma_wait3A_303 = arith.constant 11 : i32
      %dma_wait3A_304 = arith.constant 1408 : i32
      %dma_wait3A_305 = arith.constant 0 : i32
      %dma_wait3A_306 = tpu.memref_slice %arg6[%dma_wait3A_304, %dma_wait3A_305] : memref<3200x32xf32, #tpu.memory_space<vmem>> -> memref<128x32xf32, #tpu.memory_space<vmem>>
      %dma_wait3A_307 = arith.constant 0 : i32
      %dma_wait3A_308 = tpu.memref_slice %arg5[%dma_wait3A_303, %dma_wait3A_307] : memref<200x128xi32, #tpu.memory_space<vmem>> -> memref<1x128xi32, #tpu.memory_space<vmem>>
      %dma_wait3A_309 = tpu.memref_squeeze %dma_wait3A_308 : memref<1x128xi32, #tpu.memory_space<vmem>> -> memref<128xi32, #tpu.memory_space<vmem>>
      %dma_wait3A_310 = arith.constant 0 : i32
      %dma_wait3A_311 = arith.constant 0 : i32
      %dma_wait3A_312 = tpu.memref_slice %arg3[%dma_wait3A_310, %dma_wait3A_311] : memref<1000000x32xf32, #tpu.memory_space<hbm>> -> memref<1000000x32xf32, #tpu.memory_space<hbm>>
      tpu.wait_indirect_dma semaphore(%arg7 : memref<!tpu.dma_semaphore, #tpu.memory_space<semaphore_mem>>) src(%dma_wait3A_312 : memref<1000000x32xf32, #tpu.memory_space<hbm>>) dst(%dma_wait3A_306 : memref<128x32xf32, #tpu.memory_space<vmem>>)
      %dma_wait3A_313 = arith.constant 12 : i32
      %dma_wait3A_314 = arith.constant 1536 : i32
      %dma_wait3A_315 = arith.constant 0 : i32
      %dma_wait3A_316 = tpu.memref_slice %arg6[%dma_wait3A_314, %dma_wait3A_315] : memref<3200x32xf32, #tpu.memory_space<vmem>> -> memref<128x32xf32, #tpu.memory_space<vmem>>
      %dma_wait3A_317 = arith.constant 0 : i32
      %dma_wait3A_318 = tpu.memref_slice %arg5[%dma_wait3A_313, %dma_wait3A_317] : memref<200x128xi32, #tpu.memory_space<vmem>> -> memref<1x128xi32, #tpu.memory_space<vmem>>
      %dma_wait3A_319 = tpu.memref_squeeze %dma_wait3A_318 : memref<1x128xi32, #tpu.memory_space<vmem>> -> memref<128xi32, #tpu.memory_space<vmem>>
      %dma_wait3A_320 = arith.constant 0 : i32
      %dma_wait3A_321 = arith.constant 0 : i32
      %dma_wait3A_322 = tpu.memref_slice %arg3[%dma_wait3A_320, %dma_wait3A_321] : memref<1000000x32xf32, #tpu.memory_space<hbm>> -> memref<1000000x32xf32, #tpu.memory_space<hbm>>
      tpu.wait_indirect_dma semaphore(%arg7 : memref<!tpu.dma_semaphore, #tpu.memory_space<semaphore_mem>>) src(%dma_wait3A_322 : memref<1000000x32xf32, #tpu.memory_space<hbm>>) dst(%dma_wait3A_316 : memref<128x32xf32, #tpu.memory_space<vmem>>)
      %scan3A_323 = arith.constant 0 : i32
      %scan3A_324 = arith.constant 32 : i32
      %scan3A_325 = arith.addi %scan3A_323, %scan3A_324 : i32
      %scan3A_326 = arith.constant 1 : i32
      scf.for %scan3A_609 = %scan3A_323 to %scan3A_325 step %scan3A_326  : i32 {
        %mul3A_610 = arith.constant 1 : i32
        %mul3A_611 = arith.muli %scan3A_609, %mul3A_610 : i32
        %add3A_612 = arith.constant 0 : i32
        %add3A_613 = arith.addi %add3A_612, %mul3A_611 : i32
        %mul3A_614 = arith.constant 50 : i32
        %mul3A_615 = arith.muli %add3A_613, %mul3A_614 : i32
        %add3A_616 = arith.constant 0 : i32
        %add3A_617 = arith.addi %add3A_616, %mul3A_615 : i32
        %mul3A_618 = arith.constant 64 : i32
        %mul3A_619 = arith.muli %add3A_23, %mul3A_618 : i32
        %add3A_620 = arith.addi %mul3A_2, %mul3A_619 : i32
        %add3A_621 = arith.constant 0 : i32
        %add3A_622 = arith.addi %add3A_620, %add3A_621 : i32
        %add3A_623 = arith.addi %add3A_622, %add3A_613 : i32
        %dma_start3A_624 = arith.constant 0 : i32
        %dma_start3A_625 = tpu.memref_slice %arg6[%add3A_617, %dma_start3A_624] : memref<3200x32xf32, #tpu.memory_space<vmem>> -> memref<50x32xf32, #tpu.memory_space<vmem>>
        %dma_start3A_626 = arith.constant 0 : i32
        %dma_start3A_627 = arith.constant 0 : i32
        %dma_start3A_628 = tpu.memref_slice %arg4[%add3A_623, %dma_start3A_626, %dma_start3A_627] : memref<16384x56x128xf32, #tpu.memory_space<hbm>> -> memref<1x50x32xf32, #tpu.memory_space<hbm>>
        %dma_start3A_629 = tpu.memref_squeeze %dma_start3A_628 : memref<1x50x32xf32, #tpu.memory_space<hbm>> -> memref<50x32xf32, #tpu.memory_space<hbm>>
        %dma_start3A_630 = arith.constant 0 : i32
        %dma_start3A_631 = arith.constant 0 : i32
        %dma_start3A_632 = tpu.memref_slice %arg4[%add3A_623, %dma_start3A_630, %dma_start3A_631] : memref<16384x56x128xf32, #tpu.memory_space<hbm>> -> memref<1x50x32xf32, #tpu.memory_space<hbm>>
        %dma_start3A_633 = tpu.memref_squeeze %dma_start3A_632 : memref<1x50x32xf32, #tpu.memory_space<hbm>> -> memref<50x32xf32, #tpu.memory_space<hbm>>
        %dma_start3A_634 = arith.constant 0 : i32
        %dma_start3A_635 = tpu.memref_slice %arg6[%add3A_617, %dma_start3A_634] : memref<3200x32xf32, #tpu.memory_space<vmem>> -> memref<50x32xf32, #tpu.memory_space<vmem>>
        tpu.enqueue_dma source(%dma_start3A_635 : memref<50x32xf32, #tpu.memory_space<vmem>>) target(%dma_start3A_633 : memref<50x32xf32, #tpu.memory_space<hbm>>) target_semaphore(%arg8 : memref<!tpu.dma_semaphore, #tpu.memory_space<semaphore_mem>>)
      }
      %scan3A_327 = arith.constant 32 : i32
      %mul3A_328 = arith.constant 25 : i32
      %mul3A_329 = arith.muli %add3A_23, %mul3A_328 : i32
      %add3A_330 = arith.constant 13 : i32
      %add3A_331 = arith.addi %mul3A_329, %add3A_330 : i32
      %dma_start3A_332 = arith.constant 1664 : i32
      %dma_start3A_333 = arith.constant 0 : i32
      %dma_start3A_334 = tpu.memref_slice %arg6[%dma_start3A_332, %dma_start3A_333] : memref<3200x32xf32, #tpu.memory_space<vmem>> -> memref<128x32xf32, #tpu.memory_space<vmem>>
      %dma_start3A_335 = arith.constant 0 : i32
      %dma_start3A_336 = tpu.memref_slice %arg5[%add3A_331, %dma_start3A_335] : memref<200x128xi32, #tpu.memory_space<vmem>> -> memref<1x128xi32, #tpu.memory_space<vmem>>
      %dma_start3A_337 = tpu.memref_squeeze %dma_start3A_336 : memref<1x128xi32, #tpu.memory_space<vmem>> -> memref<128xi32, #tpu.memory_space<vmem>>
      %dma_start3A_338 = arith.constant 0 : i32
      %dma_start3A_339 = arith.constant 0 : i32
      %dma_start3A_340 = tpu.memref_slice %arg3[%dma_start3A_338, %dma_start3A_339] : memref<1000000x32xf32, #tpu.memory_space<hbm>> -> memref<1000000x32xf32, #tpu.memory_space<hbm>>
      tpu.enqueue_indirect_dma source(%dma_start3A_340 : memref<1000000x32xf32, #tpu.memory_space<hbm>>) target(%dma_start3A_334 : memref<128x32xf32, #tpu.memory_space<vmem>>) offsets(%dma_start3A_337 : memref<128xi32, #tpu.memory_space<vmem>>) semaphore(%arg7 : memref<!tpu.dma_semaphore, #tpu.memory_space<semaphore_mem>>)
      %mul3A_341 = arith.constant 25 : i32
      %mul3A_342 = arith.muli %add3A_23, %mul3A_341 : i32
      %add3A_343 = arith.constant 14 : i32
      %add3A_344 = arith.addi %mul3A_342, %add3A_343 : i32
      %dma_start3A_345 = arith.constant 1792 : i32
      %dma_start3A_346 = arith.constant 0 : i32
      %dma_start3A_347 = tpu.memref_slice %arg6[%dma_start3A_345, %dma_start3A_346] : memref<3200x32xf32, #tpu.memory_space<vmem>> -> memref<128x32xf32, #tpu.memory_space<vmem>>
      %dma_start3A_348 = arith.constant 0 : i32
      %dma_start3A_349 = tpu.memref_slice %arg5[%add3A_344, %dma_start3A_348] : memref<200x128xi32, #tpu.memory_space<vmem>> -> memref<1x128xi32, #tpu.memory_space<vmem>>
      %dma_start3A_350 = tpu.memref_squeeze %dma_start3A_349 : memref<1x128xi32, #tpu.memory_space<vmem>> -> memref<128xi32, #tpu.memory_space<vmem>>
      %dma_start3A_351 = arith.constant 0 : i32
      %dma_start3A_352 = arith.constant 0 : i32
      %dma_start3A_353 = tpu.memref_slice %arg3[%dma_start3A_351, %dma_start3A_352] : memref<1000000x32xf32, #tpu.memory_space<hbm>> -> memref<1000000x32xf32, #tpu.memory_space<hbm>>
      tpu.enqueue_indirect_dma source(%dma_start3A_353 : memref<1000000x32xf32, #tpu.memory_space<hbm>>) target(%dma_start3A_347 : memref<128x32xf32, #tpu.memory_space<vmem>>) offsets(%dma_start3A_350 : memref<128xi32, #tpu.memory_space<vmem>>) semaphore(%arg7 : memref<!tpu.dma_semaphore, #tpu.memory_space<semaphore_mem>>)
      %mul3A_354 = arith.constant 25 : i32
      %mul3A_355 = arith.muli %add3A_23, %mul3A_354 : i32
      %add3A_356 = arith.constant 15 : i32
      %add3A_357 = arith.addi %mul3A_355, %add3A_356 : i32
      %dma_start3A_358 = arith.constant 1920 : i32
      %dma_start3A_359 = arith.constant 0 : i32
      %dma_start3A_360 = tpu.memref_slice %arg6[%dma_start3A_358, %dma_start3A_359] : memref<3200x32xf32, #tpu.memory_space<vmem>> -> memref<128x32xf32, #tpu.memory_space<vmem>>
      %dma_start3A_361 = arith.constant 0 : i32
      %dma_start3A_362 = tpu.memref_slice %arg5[%add3A_357, %dma_start3A_361] : memref<200x128xi32, #tpu.memory_space<vmem>> -> memref<1x128xi32, #tpu.memory_space<vmem>>
      %dma_start3A_363 = tpu.memref_squeeze %dma_start3A_362 : memref<1x128xi32, #tpu.memory_space<vmem>> -> memref<128xi32, #tpu.memory_space<vmem>>
      %dma_start3A_364 = arith.constant 0 : i32
      %dma_start3A_365 = arith.constant 0 : i32
      %dma_start3A_366 = tpu.memref_slice %arg3[%dma_start3A_364, %dma_start3A_365] : memref<1000000x32xf32, #tpu.memory_space<hbm>> -> memref<1000000x32xf32, #tpu.memory_space<hbm>>
      tpu.enqueue_indirect_dma source(%dma_start3A_366 : memref<1000000x32xf32, #tpu.memory_space<hbm>>) target(%dma_start3A_360 : memref<128x32xf32, #tpu.memory_space<vmem>>) offsets(%dma_start3A_363 : memref<128xi32, #tpu.memory_space<vmem>>) semaphore(%arg7 : memref<!tpu.dma_semaphore, #tpu.memory_space<semaphore_mem>>)
      %mul3A_367 = arith.constant 25 : i32
      %mul3A_368 = arith.muli %add3A_23, %mul3A_367 : i32
      %add3A_369 = arith.constant 16 : i32
      %add3A_370 = arith.addi %mul3A_368, %add3A_369 : i32
      %dma_start3A_371 = arith.constant 2048 : i32
      %dma_start3A_372 = arith.constant 0 : i32
      %dma_start3A_373 = tpu.memref_slice %arg6[%dma_start3A_371, %dma_start3A_372] : memref<3200x32xf32, #tpu.memory_space<vmem>> -> memref<128x32xf32, #tpu.memory_space<vmem>>
      %dma_start3A_374 = arith.constant 0 : i32
      %dma_start3A_375 = tpu.memref_slice %arg5[%add3A_370, %dma_start3A_374] : memref<200x128xi32, #tpu.memory_space<vmem>> -> memref<1x128xi32, #tpu.memory_space<vmem>>
      %dma_start3A_376 = tpu.memref_squeeze %dma_start3A_375 : memref<1x128xi32, #tpu.memory_space<vmem>> -> memref<128xi32, #tpu.memory_space<vmem>>
      %dma_start3A_377 = arith.constant 0 : i32
      %dma_start3A_378 = arith.constant 0 : i32
      %dma_start3A_379 = tpu.memref_slice %arg3[%dma_start3A_377, %dma_start3A_378] : memref<1000000x32xf32, #tpu.memory_space<hbm>> -> memref<1000000x32xf32, #tpu.memory_space<hbm>>
      tpu.enqueue_indirect_dma source(%dma_start3A_379 : memref<1000000x32xf32, #tpu.memory_space<hbm>>) target(%dma_start3A_373 : memref<128x32xf32, #tpu.memory_space<vmem>>) offsets(%dma_start3A_376 : memref<128xi32, #tpu.memory_space<vmem>>) semaphore(%arg7 : memref<!tpu.dma_semaphore, #tpu.memory_space<semaphore_mem>>)
      %mul3A_380 = arith.constant 25 : i32
      %mul3A_381 = arith.muli %add3A_23, %mul3A_380 : i32
      %add3A_382 = arith.constant 17 : i32
      %add3A_383 = arith.addi %mul3A_381, %add3A_382 : i32
      %dma_start3A_384 = arith.constant 2176 : i32
      %dma_start3A_385 = arith.constant 0 : i32
      %dma_start3A_386 = tpu.memref_slice %arg6[%dma_start3A_384, %dma_start3A_385] : memref<3200x32xf32, #tpu.memory_space<vmem>> -> memref<128x32xf32, #tpu.memory_space<vmem>>
      %dma_start3A_387 = arith.constant 0 : i32
      %dma_start3A_388 = tpu.memref_slice %arg5[%add3A_383, %dma_start3A_387] : memref<200x128xi32, #tpu.memory_space<vmem>> -> memref<1x128xi32, #tpu.memory_space<vmem>>
      %dma_start3A_389 = tpu.memref_squeeze %dma_start3A_388 : memref<1x128xi32, #tpu.memory_space<vmem>> -> memref<128xi32, #tpu.memory_space<vmem>>
      %dma_start3A_390 = arith.constant 0 : i32
      %dma_start3A_391 = arith.constant 0 : i32
      %dma_start3A_392 = tpu.memref_slice %arg3[%dma_start3A_390, %dma_start3A_391] : memref<1000000x32xf32, #tpu.memory_space<hbm>> -> memref<1000000x32xf32, #tpu.memory_space<hbm>>
      tpu.enqueue_indirect_dma source(%dma_start3A_392 : memref<1000000x32xf32, #tpu.memory_space<hbm>>) target(%dma_start3A_386 : memref<128x32xf32, #tpu.memory_space<vmem>>) offsets(%dma_start3A_389 : memref<128xi32, #tpu.memory_space<vmem>>) semaphore(%arg7 : memref<!tpu.dma_semaphore, #tpu.memory_space<semaphore_mem>>)
      %mul3A_393 = arith.constant 25 : i32
      %mul3A_394 = arith.muli %add3A_23, %mul3A_393 : i32
      %add3A_395 = arith.constant 18 : i32
      %add3A_396 = arith.addi %mul3A_394, %add3A_395 : i32
      %dma_start3A_397 = arith.constant 2304 : i32
      %dma_start3A_398 = arith.constant 0 : i32
      %dma_start3A_399 = tpu.memref_slice %arg6[%dma_start3A_397, %dma_start3A_398] : memref<3200x32xf32, #tpu.memory_space<vmem>> -> memref<128x32xf32, #tpu.memory_space<vmem>>
      %dma_start3A_400 = arith.constant 0 : i32
      %dma_start3A_401 = tpu.memref_slice %arg5[%add3A_396, %dma_start3A_400] : memref<200x128xi32, #tpu.memory_space<vmem>> -> memref<1x128xi32, #tpu.memory_space<vmem>>
      %dma_start3A_402 = tpu.memref_squeeze %dma_start3A_401 : memref<1x128xi32, #tpu.memory_space<vmem>> -> memref<128xi32, #tpu.memory_space<vmem>>
      %dma_start3A_403 = arith.constant 0 : i32
      %dma_start3A_404 = arith.constant 0 : i32
      %dma_start3A_405 = tpu.memref_slice %arg3[%dma_start3A_403, %dma_start3A_404] : memref<1000000x32xf32, #tpu.memory_space<hbm>> -> memref<1000000x32xf32, #tpu.memory_space<hbm>>
      tpu.enqueue_indirect_dma source(%dma_start3A_405 : memref<1000000x32xf32, #tpu.memory_space<hbm>>) target(%dma_start3A_399 : memref<128x32xf32, #tpu.memory_space<vmem>>) offsets(%dma_start3A_402 : memref<128xi32, #tpu.memory_space<vmem>>) semaphore(%arg7 : memref<!tpu.dma_semaphore, #tpu.memory_space<semaphore_mem>>)
      %mul3A_406 = arith.constant 25 : i32
      %mul3A_407 = arith.muli %add3A_23, %mul3A_406 : i32
      %add3A_408 = arith.constant 19 : i32
      %add3A_409 = arith.addi %mul3A_407, %add3A_408 : i32
      %dma_start3A_410 = arith.constant 2432 : i32
      %dma_start3A_411 = arith.constant 0 : i32
      %dma_start3A_412 = tpu.memref_slice %arg6[%dma_start3A_410, %dma_start3A_411] : memref<3200x32xf32, #tpu.memory_space<vmem>> -> memref<128x32xf32, #tpu.memory_space<vmem>>
      %dma_start3A_413 = arith.constant 0 : i32
      %dma_start3A_414 = tpu.memref_slice %arg5[%add3A_409, %dma_start3A_413] : memref<200x128xi32, #tpu.memory_space<vmem>> -> memref<1x128xi32, #tpu.memory_space<vmem>>
      %dma_start3A_415 = tpu.memref_squeeze %dma_start3A_414 : memref<1x128xi32, #tpu.memory_space<vmem>> -> memref<128xi32, #tpu.memory_space<vmem>>
      %dma_start3A_416 = arith.constant 0 : i32
      %dma_start3A_417 = arith.constant 0 : i32
      %dma_start3A_418 = tpu.memref_slice %arg3[%dma_start3A_416, %dma_start3A_417] : memref<1000000x32xf32, #tpu.memory_space<hbm>> -> memref<1000000x32xf32, #tpu.memory_space<hbm>>
      tpu.enqueue_indirect_dma source(%dma_start3A_418 : memref<1000000x32xf32, #tpu.memory_space<hbm>>) target(%dma_start3A_412 : memref<128x32xf32, #tpu.memory_space<vmem>>) offsets(%dma_start3A_415 : memref<128xi32, #tpu.memory_space<vmem>>) semaphore(%arg7 : memref<!tpu.dma_semaphore, #tpu.memory_space<semaphore_mem>>)
      %mul3A_419 = arith.constant 25 : i32
      %mul3A_420 = arith.muli %add3A_23, %mul3A_419 : i32
      %add3A_421 = arith.constant 20 : i32
      %add3A_422 = arith.addi %mul3A_420, %add3A_421 : i32
      %dma_start3A_423 = arith.constant 2560 : i32
      %dma_start3A_424 = arith.constant 0 : i32
      %dma_start3A_425 = tpu.memref_slice %arg6[%dma_start3A_423, %dma_start3A_424] : memref<3200x32xf32, #tpu.memory_space<vmem>> -> memref<128x32xf32, #tpu.memory_space<vmem>>
      %dma_start3A_426 = arith.constant 0 : i32
      %dma_start3A_427 = tpu.memref_slice %arg5[%add3A_422, %dma_start3A_426] : memref<200x128xi32, #tpu.memory_space<vmem>> -> memref<1x128xi32, #tpu.memory_space<vmem>>
      %dma_start3A_428 = tpu.memref_squeeze %dma_start3A_427 : memref<1x128xi32, #tpu.memory_space<vmem>> -> memref<128xi32, #tpu.memory_space<vmem>>
      %dma_start3A_429 = arith.constant 0 : i32
      %dma_start3A_430 = arith.constant 0 : i32
      %dma_start3A_431 = tpu.memref_slice %arg3[%dma_start3A_429, %dma_start3A_430] : memref<1000000x32xf32, #tpu.memory_space<hbm>> -> memref<1000000x32xf32, #tpu.memory_space<hbm>>
      tpu.enqueue_indirect_dma source(%dma_start3A_431 : memref<1000000x32xf32, #tpu.memory_space<hbm>>) target(%dma_start3A_425 : memref<128x32xf32, #tpu.memory_space<vmem>>) offsets(%dma_start3A_428 : memref<128xi32, #tpu.memory_space<vmem>>) semaphore(%arg7 : memref<!tpu.dma_semaphore, #tpu.memory_space<semaphore_mem>>)
      %mul3A_432 = arith.constant 25 : i32
      %mul3A_433 = arith.muli %add3A_23, %mul3A_432 : i32
      %add3A_434 = arith.constant 21 : i32
      %add3A_435 = arith.addi %mul3A_433, %add3A_434 : i32
      %dma_start3A_436 = arith.constant 2688 : i32
      %dma_start3A_437 = arith.constant 0 : i32
      %dma_start3A_438 = tpu.memref_slice %arg6[%dma_start3A_436, %dma_start3A_437] : memref<3200x32xf32, #tpu.memory_space<vmem>> -> memref<128x32xf32, #tpu.memory_space<vmem>>
      %dma_start3A_439 = arith.constant 0 : i32
      %dma_start3A_440 = tpu.memref_slice %arg5[%add3A_435, %dma_start3A_439] : memref<200x128xi32, #tpu.memory_space<vmem>> -> memref<1x128xi32, #tpu.memory_space<vmem>>
      %dma_start3A_441 = tpu.memref_squeeze %dma_start3A_440 : memref<1x128xi32, #tpu.memory_space<vmem>> -> memref<128xi32, #tpu.memory_space<vmem>>
      %dma_start3A_442 = arith.constant 0 : i32
      %dma_start3A_443 = arith.constant 0 : i32
      %dma_start3A_444 = tpu.memref_slice %arg3[%dma_start3A_442, %dma_start3A_443] : memref<1000000x32xf32, #tpu.memory_space<hbm>> -> memref<1000000x32xf32, #tpu.memory_space<hbm>>
      tpu.enqueue_indirect_dma source(%dma_start3A_444 : memref<1000000x32xf32, #tpu.memory_space<hbm>>) target(%dma_start3A_438 : memref<128x32xf32, #tpu.memory_space<vmem>>) offsets(%dma_start3A_441 : memref<128xi32, #tpu.memory_space<vmem>>) semaphore(%arg7 : memref<!tpu.dma_semaphore, #tpu.memory_space<semaphore_mem>>)
      %mul3A_445 = arith.constant 25 : i32
      %mul3A_446 = arith.muli %add3A_23, %mul3A_445 : i32
      %add3A_447 = arith.constant 22 : i32
      %add3A_448 = arith.addi %mul3A_446, %add3A_447 : i32
      %dma_start3A_449 = arith.constant 2816 : i32
      %dma_start3A_450 = arith.constant 0 : i32
      %dma_start3A_451 = tpu.memref_slice %arg6[%dma_start3A_449, %dma_start3A_450] : memref<3200x32xf32, #tpu.memory_space<vmem>> -> memref<128x32xf32, #tpu.memory_space<vmem>>
      %dma_start3A_452 = arith.constant 0 : i32
      %dma_start3A_453 = tpu.memref_slice %arg5[%add3A_448, %dma_start3A_452] : memref<200x128xi32, #tpu.memory_space<vmem>> -> memref<1x128xi32, #tpu.memory_space<vmem>>
      %dma_start3A_454 = tpu.memref_squeeze %dma_start3A_453 : memref<1x128xi32, #tpu.memory_space<vmem>> -> memref<128xi32, #tpu.memory_space<vmem>>
      %dma_start3A_455 = arith.constant 0 : i32
      %dma_start3A_456 = arith.constant 0 : i32
      %dma_start3A_457 = tpu.memref_slice %arg3[%dma_start3A_455, %dma_start3A_456] : memref<1000000x32xf32, #tpu.memory_space<hbm>> -> memref<1000000x32xf32, #tpu.memory_space<hbm>>
      tpu.enqueue_indirect_dma source(%dma_start3A_457 : memref<1000000x32xf32, #tpu.memory_space<hbm>>) target(%dma_start3A_451 : memref<128x32xf32, #tpu.memory_space<vmem>>) offsets(%dma_start3A_454 : memref<128xi32, #tpu.memory_space<vmem>>) semaphore(%arg7 : memref<!tpu.dma_semaphore, #tpu.memory_space<semaphore_mem>>)
      %mul3A_458 = arith.constant 25 : i32
      %mul3A_459 = arith.muli %add3A_23, %mul3A_458 : i32
      %add3A_460 = arith.constant 23 : i32
      %add3A_461 = arith.addi %mul3A_459, %add3A_460 : i32
      %dma_start3A_462 = arith.constant 2944 : i32
      %dma_start3A_463 = arith.constant 0 : i32
      %dma_start3A_464 = tpu.memref_slice %arg6[%dma_start3A_462, %dma_start3A_463] : memref<3200x32xf32, #tpu.memory_space<vmem>> -> memref<128x32xf32, #tpu.memory_space<vmem>>
      %dma_start3A_465 = arith.constant 0 : i32
      %dma_start3A_466 = tpu.memref_slice %arg5[%add3A_461, %dma_start3A_465] : memref<200x128xi32, #tpu.memory_space<vmem>> -> memref<1x128xi32, #tpu.memory_space<vmem>>
      %dma_start3A_467 = tpu.memref_squeeze %dma_start3A_466 : memref<1x128xi32, #tpu.memory_space<vmem>> -> memref<128xi32, #tpu.memory_space<vmem>>
      %dma_start3A_468 = arith.constant 0 : i32
      %dma_start3A_469 = arith.constant 0 : i32
      %dma_start3A_470 = tpu.memref_slice %arg3[%dma_start3A_468, %dma_start3A_469] : memref<1000000x32xf32, #tpu.memory_space<hbm>> -> memref<1000000x32xf32, #tpu.memory_space<hbm>>
      tpu.enqueue_indirect_dma source(%dma_start3A_470 : memref<1000000x32xf32, #tpu.memory_space<hbm>>) target(%dma_start3A_464 : memref<128x32xf32, #tpu.memory_space<vmem>>) offsets(%dma_start3A_467 : memref<128xi32, #tpu.memory_space<vmem>>) semaphore(%arg7 : memref<!tpu.dma_semaphore, #tpu.memory_space<semaphore_mem>>)
      %mul3A_471 = arith.constant 25 : i32
      %mul3A_472 = arith.muli %add3A_23, %mul3A_471 : i32
      %add3A_473 = arith.constant 24 : i32
      %add3A_474 = arith.addi %mul3A_472, %add3A_473 : i32
      %dma_start3A_475 = arith.constant 3072 : i32
      %dma_start3A_476 = arith.constant 0 : i32
      %dma_start3A_477 = tpu.memref_slice %arg6[%dma_start3A_475, %dma_start3A_476] : memref<3200x32xf32, #tpu.memory_space<vmem>> -> memref<128x32xf32, #tpu.memory_space<vmem>>
      %dma_start3A_478 = arith.constant 0 : i32
      %dma_start3A_479 = tpu.memref_slice %arg5[%add3A_474, %dma_start3A_478] : memref<200x128xi32, #tpu.memory_space<vmem>> -> memref<1x128xi32, #tpu.memory_space<vmem>>
      %dma_start3A_480 = tpu.memref_squeeze %dma_start3A_479 : memref<1x128xi32, #tpu.memory_space<vmem>> -> memref<128xi32, #tpu.memory_space<vmem>>
      %dma_start3A_481 = arith.constant 0 : i32
      %dma_start3A_482 = arith.constant 0 : i32
      %dma_start3A_483 = tpu.memref_slice %arg3[%dma_start3A_481, %dma_start3A_482] : memref<1000000x32xf32, #tpu.memory_space<hbm>> -> memref<1000000x32xf32, #tpu.memory_space<hbm>>
      tpu.enqueue_indirect_dma source(%dma_start3A_483 : memref<1000000x32xf32, #tpu.memory_space<hbm>>) target(%dma_start3A_477 : memref<128x32xf32, #tpu.memory_space<vmem>>) offsets(%dma_start3A_480 : memref<128xi32, #tpu.memory_space<vmem>>) semaphore(%arg7 : memref<!tpu.dma_semaphore, #tpu.memory_space<semaphore_mem>>)
      %dma_wait3A_484 = arith.constant 13 : i32
      %dma_wait3A_485 = arith.constant 1664 : i32
      %dma_wait3A_486 = arith.constant 0 : i32
      %dma_wait3A_487 = tpu.memref_slice %arg6[%dma_wait3A_485, %dma_wait3A_486] : memref<3200x32xf32, #tpu.memory_space<vmem>> -> memref<128x32xf32, #tpu.memory_space<vmem>>
      %dma_wait3A_488 = arith.constant 0 : i32
      %dma_wait3A_489 = tpu.memref_slice %arg5[%dma_wait3A_484, %dma_wait3A_488] : memref<200x128xi32, #tpu.memory_space<vmem>> -> memref<1x128xi32, #tpu.memory_space<vmem>>
      %dma_wait3A_490 = tpu.memref_squeeze %dma_wait3A_489 : memref<1x128xi32, #tpu.memory_space<vmem>> -> memref<128xi32, #tpu.memory_space<vmem>>
      %dma_wait3A_491 = arith.constant 0 : i32
      %dma_wait3A_492 = arith.constant 0 : i32
      %dma_wait3A_493 = tpu.memref_slice %arg3[%dma_wait3A_491, %dma_wait3A_492] : memref<1000000x32xf32, #tpu.memory_space<hbm>> -> memref<1000000x32xf32, #tpu.memory_space<hbm>>
      tpu.wait_indirect_dma semaphore(%arg7 : memref<!tpu.dma_semaphore, #tpu.memory_space<semaphore_mem>>) src(%dma_wait3A_493 : memref<1000000x32xf32, #tpu.memory_space<hbm>>) dst(%dma_wait3A_487 : memref<128x32xf32, #tpu.memory_space<vmem>>)
      %dma_wait3A_494 = arith.constant 14 : i32
      %dma_wait3A_495 = arith.constant 1792 : i32
      %dma_wait3A_496 = arith.constant 0 : i32
      %dma_wait3A_497 = tpu.memref_slice %arg6[%dma_wait3A_495, %dma_wait3A_496] : memref<3200x32xf32, #tpu.memory_space<vmem>> -> memref<128x32xf32, #tpu.memory_space<vmem>>
      %dma_wait3A_498 = arith.constant 0 : i32
      %dma_wait3A_499 = tpu.memref_slice %arg5[%dma_wait3A_494, %dma_wait3A_498] : memref<200x128xi32, #tpu.memory_space<vmem>> -> memref<1x128xi32, #tpu.memory_space<vmem>>
      %dma_wait3A_500 = tpu.memref_squeeze %dma_wait3A_499 : memref<1x128xi32, #tpu.memory_space<vmem>> -> memref<128xi32, #tpu.memory_space<vmem>>
      %dma_wait3A_501 = arith.constant 0 : i32
      %dma_wait3A_502 = arith.constant 0 : i32
      %dma_wait3A_503 = tpu.memref_slice %arg3[%dma_wait3A_501, %dma_wait3A_502] : memref<1000000x32xf32, #tpu.memory_space<hbm>> -> memref<1000000x32xf32, #tpu.memory_space<hbm>>
      tpu.wait_indirect_dma semaphore(%arg7 : memref<!tpu.dma_semaphore, #tpu.memory_space<semaphore_mem>>) src(%dma_wait3A_503 : memref<1000000x32xf32, #tpu.memory_space<hbm>>) dst(%dma_wait3A_497 : memref<128x32xf32, #tpu.memory_space<vmem>>)
      %dma_wait3A_504 = arith.constant 15 : i32
      %dma_wait3A_505 = arith.constant 1920 : i32
      %dma_wait3A_506 = arith.constant 0 : i32
      %dma_wait3A_507 = tpu.memref_slice %arg6[%dma_wait3A_505, %dma_wait3A_506] : memref<3200x32xf32, #tpu.memory_space<vmem>> -> memref<128x32xf32, #tpu.memory_space<vmem>>
      %dma_wait3A_508 = arith.constant 0 : i32
      %dma_wait3A_509 = tpu.memref_slice %arg5[%dma_wait3A_504, %dma_wait3A_508] : memref<200x128xi32, #tpu.memory_space<vmem>> -> memref<1x128xi32, #tpu.memory_space<vmem>>
      %dma_wait3A_510 = tpu.memref_squeeze %dma_wait3A_509 : memref<1x128xi32, #tpu.memory_space<vmem>> -> memref<128xi32, #tpu.memory_space<vmem>>
      %dma_wait3A_511 = arith.constant 0 : i32
      %dma_wait3A_512 = arith.constant 0 : i32
      %dma_wait3A_513 = tpu.memref_slice %arg3[%dma_wait3A_511, %dma_wait3A_512] : memref<1000000x32xf32, #tpu.memory_space<hbm>> -> memref<1000000x32xf32, #tpu.memory_space<hbm>>
      tpu.wait_indirect_dma semaphore(%arg7 : memref<!tpu.dma_semaphore, #tpu.memory_space<semaphore_mem>>) src(%dma_wait3A_513 : memref<1000000x32xf32, #tpu.memory_space<hbm>>) dst(%dma_wait3A_507 : memref<128x32xf32, #tpu.memory_space<vmem>>)
      %dma_wait3A_514 = arith.constant 16 : i32
      %dma_wait3A_515 = arith.constant 2048 : i32
      %dma_wait3A_516 = arith.constant 0 : i32
      %dma_wait3A_517 = tpu.memref_slice %arg6[%dma_wait3A_515, %dma_wait3A_516] : memref<3200x32xf32, #tpu.memory_space<vmem>> -> memref<128x32xf32, #tpu.memory_space<vmem>>
      %dma_wait3A_518 = arith.constant 0 : i32
      %dma_wait3A_519 = tpu.memref_slice %arg5[%dma_wait3A_514, %dma_wait3A_518] : memref<200x128xi32, #tpu.memory_space<vmem>> -> memref<1x128xi32, #tpu.memory_space<vmem>>
      %dma_wait3A_520 = tpu.memref_squeeze %dma_wait3A_519 : memref<1x128xi32, #tpu.memory_space<vmem>> -> memref<128xi32, #tpu.memory_space<vmem>>
      %dma_wait3A_521 = arith.constant 0 : i32
      %dma_wait3A_522 = arith.constant 0 : i32
      %dma_wait3A_523 = tpu.memref_slice %arg3[%dma_wait3A_521, %dma_wait3A_522] : memref<1000000x32xf32, #tpu.memory_space<hbm>> -> memref<1000000x32xf32, #tpu.memory_space<hbm>>
      tpu.wait_indirect_dma semaphore(%arg7 : memref<!tpu.dma_semaphore, #tpu.memory_space<semaphore_mem>>) src(%dma_wait3A_523 : memref<1000000x32xf32, #tpu.memory_space<hbm>>) dst(%dma_wait3A_517 : memref<128x32xf32, #tpu.memory_space<vmem>>)
      %dma_wait3A_524 = arith.constant 17 : i32
      %dma_wait3A_525 = arith.constant 2176 : i32
      %dma_wait3A_526 = arith.constant 0 : i32
      %dma_wait3A_527 = tpu.memref_slice %arg6[%dma_wait3A_525, %dma_wait3A_526] : memref<3200x32xf32, #tpu.memory_space<vmem>> -> memref<128x32xf32, #tpu.memory_space<vmem>>
      %dma_wait3A_528 = arith.constant 0 : i32
      %dma_wait3A_529 = tpu.memref_slice %arg5[%dma_wait3A_524, %dma_wait3A_528] : memref<200x128xi32, #tpu.memory_space<vmem>> -> memref<1x128xi32, #tpu.memory_space<vmem>>
      %dma_wait3A_530 = tpu.memref_squeeze %dma_wait3A_529 : memref<1x128xi32, #tpu.memory_space<vmem>> -> memref<128xi32, #tpu.memory_space<vmem>>
      %dma_wait3A_531 = arith.constant 0 : i32
      %dma_wait3A_532 = arith.constant 0 : i32
      %dma_wait3A_533 = tpu.memref_slice %arg3[%dma_wait3A_531, %dma_wait3A_532] : memref<1000000x32xf32, #tpu.memory_space<hbm>> -> memref<1000000x32xf32, #tpu.memory_space<hbm>>
      tpu.wait_indirect_dma semaphore(%arg7 : memref<!tpu.dma_semaphore, #tpu.memory_space<semaphore_mem>>) src(%dma_wait3A_533 : memref<1000000x32xf32, #tpu.memory_space<hbm>>) dst(%dma_wait3A_527 : memref<128x32xf32, #tpu.memory_space<vmem>>)
      %dma_wait3A_534 = arith.constant 18 : i32
      %dma_wait3A_535 = arith.constant 2304 : i32
      %dma_wait3A_536 = arith.constant 0 : i32
      %dma_wait3A_537 = tpu.memref_slice %arg6[%dma_wait3A_535, %dma_wait3A_536] : memref<3200x32xf32, #tpu.memory_space<vmem>> -> memref<128x32xf32, #tpu.memory_space<vmem>>
      %dma_wait3A_538 = arith.constant 0 : i32
      %dma_wait3A_539 = tpu.memref_slice %arg5[%dma_wait3A_534, %dma_wait3A_538] : memref<200x128xi32, #tpu.memory_space<vmem>> -> memref<1x128xi32, #tpu.memory_space<vmem>>
      %dma_wait3A_540 = tpu.memref_squeeze %dma_wait3A_539 : memref<1x128xi32, #tpu.memory_space<vmem>> -> memref<128xi32, #tpu.memory_space<vmem>>
      %dma_wait3A_541 = arith.constant 0 : i32
      %dma_wait3A_542 = arith.constant 0 : i32
      %dma_wait3A_543 = tpu.memref_slice %arg3[%dma_wait3A_541, %dma_wait3A_542] : memref<1000000x32xf32, #tpu.memory_space<hbm>> -> memref<1000000x32xf32, #tpu.memory_space<hbm>>
      tpu.wait_indirect_dma semaphore(%arg7 : memref<!tpu.dma_semaphore, #tpu.memory_space<semaphore_mem>>) src(%dma_wait3A_543 : memref<1000000x32xf32, #tpu.memory_space<hbm>>) dst(%dma_wait3A_537 : memref<128x32xf32, #tpu.memory_space<vmem>>)
      %dma_wait3A_544 = arith.constant 19 : i32
      %dma_wait3A_545 = arith.constant 2432 : i32
      %dma_wait3A_546 = arith.constant 0 : i32
      %dma_wait3A_547 = tpu.memref_slice %arg6[%dma_wait3A_545, %dma_wait3A_546] : memref<3200x32xf32, #tpu.memory_space<vmem>> -> memref<128x32xf32, #tpu.memory_space<vmem>>
      %dma_wait3A_548 = arith.constant 0 : i32
      %dma_wait3A_549 = tpu.memref_slice %arg5[%dma_wait3A_544, %dma_wait3A_548] : memref<200x128xi32, #tpu.memory_space<vmem>> -> memref<1x128xi32, #tpu.memory_space<vmem>>
      %dma_wait3A_550 = tpu.memref_squeeze %dma_wait3A_549 : memref<1x128xi32, #tpu.memory_space<vmem>> -> memref<128xi32, #tpu.memory_space<vmem>>
      %dma_wait3A_551 = arith.constant 0 : i32
      %dma_wait3A_552 = arith.constant 0 : i32
      %dma_wait3A_553 = tpu.memref_slice %arg3[%dma_wait3A_551, %dma_wait3A_552] : memref<1000000x32xf32, #tpu.memory_space<hbm>> -> memref<1000000x32xf32, #tpu.memory_space<hbm>>
      tpu.wait_indirect_dma semaphore(%arg7 : memref<!tpu.dma_semaphore, #tpu.memory_space<semaphore_mem>>) src(%dma_wait3A_553 : memref<1000000x32xf32, #tpu.memory_space<hbm>>) dst(%dma_wait3A_547 : memref<128x32xf32, #tpu.memory_space<vmem>>)
      %dma_wait3A_554 = arith.constant 20 : i32
      %dma_wait3A_555 = arith.constant 2560 : i32
      %dma_wait3A_556 = arith.constant 0 : i32
      %dma_wait3A_557 = tpu.memref_slice %arg6[%dma_wait3A_555, %dma_wait3A_556] : memref<3200x32xf32, #tpu.memory_space<vmem>> -> memref<128x32xf32, #tpu.memory_space<vmem>>
      %dma_wait3A_558 = arith.constant 0 : i32
      %dma_wait3A_559 = tpu.memref_slice %arg5[%dma_wait3A_554, %dma_wait3A_558] : memref<200x128xi32, #tpu.memory_space<vmem>> -> memref<1x128xi32, #tpu.memory_space<vmem>>
      %dma_wait3A_560 = tpu.memref_squeeze %dma_wait3A_559 : memref<1x128xi32, #tpu.memory_space<vmem>> -> memref<128xi32, #tpu.memory_space<vmem>>
      %dma_wait3A_561 = arith.constant 0 : i32
      %dma_wait3A_562 = arith.constant 0 : i32
      %dma_wait3A_563 = tpu.memref_slice %arg3[%dma_wait3A_561, %dma_wait3A_562] : memref<1000000x32xf32, #tpu.memory_space<hbm>> -> memref<1000000x32xf32, #tpu.memory_space<hbm>>
      tpu.wait_indirect_dma semaphore(%arg7 : memref<!tpu.dma_semaphore, #tpu.memory_space<semaphore_mem>>) src(%dma_wait3A_563 : memref<1000000x32xf32, #tpu.memory_space<hbm>>) dst(%dma_wait3A_557 : memref<128x32xf32, #tpu.memory_space<vmem>>)
      %dma_wait3A_564 = arith.constant 21 : i32
      %dma_wait3A_565 = arith.constant 2688 : i32
      %dma_wait3A_566 = arith.constant 0 : i32
      %dma_wait3A_567 = tpu.memref_slice %arg6[%dma_wait3A_565, %dma_wait3A_566] : memref<3200x32xf32, #tpu.memory_space<vmem>> -> memref<128x32xf32, #tpu.memory_space<vmem>>
      %dma_wait3A_568 = arith.constant 0 : i32
      %dma_wait3A_569 = tpu.memref_slice %arg5[%dma_wait3A_564, %dma_wait3A_568] : memref<200x128xi32, #tpu.memory_space<vmem>> -> memref<1x128xi32, #tpu.memory_space<vmem>>
      %dma_wait3A_570 = tpu.memref_squeeze %dma_wait3A_569 : memref<1x128xi32, #tpu.memory_space<vmem>> -> memref<128xi32, #tpu.memory_space<vmem>>
      %dma_wait3A_571 = arith.constant 0 : i32
      %dma_wait3A_572 = arith.constant 0 : i32
      %dma_wait3A_573 = tpu.memref_slice %arg3[%dma_wait3A_571, %dma_wait3A_572] : memref<1000000x32xf32, #tpu.memory_space<hbm>> -> memref<1000000x32xf32, #tpu.memory_space<hbm>>
      tpu.wait_indirect_dma semaphore(%arg7 : memref<!tpu.dma_semaphore, #tpu.memory_space<semaphore_mem>>) src(%dma_wait3A_573 : memref<1000000x32xf32, #tpu.memory_space<hbm>>) dst(%dma_wait3A_567 : memref<128x32xf32, #tpu.memory_space<vmem>>)
      %dma_wait3A_574 = arith.constant 22 : i32
      %dma_wait3A_575 = arith.constant 2816 : i32
      %dma_wait3A_576 = arith.constant 0 : i32
      %dma_wait3A_577 = tpu.memref_slice %arg6[%dma_wait3A_575, %dma_wait3A_576] : memref<3200x32xf32, #tpu.memory_space<vmem>> -> memref<128x32xf32, #tpu.memory_space<vmem>>
      %dma_wait3A_578 = arith.constant 0 : i32
      %dma_wait3A_579 = tpu.memref_slice %arg5[%dma_wait3A_574, %dma_wait3A_578] : memref<200x128xi32, #tpu.memory_space<vmem>> -> memref<1x128xi32, #tpu.memory_space<vmem>>
      %dma_wait3A_580 = tpu.memref_squeeze %dma_wait3A_579 : memref<1x128xi32, #tpu.memory_space<vmem>> -> memref<128xi32, #tpu.memory_space<vmem>>
      %dma_wait3A_581 = arith.constant 0 : i32
      %dma_wait3A_582 = arith.constant 0 : i32
      %dma_wait3A_583 = tpu.memref_slice %arg3[%dma_wait3A_581, %dma_wait3A_582] : memref<1000000x32xf32, #tpu.memory_space<hbm>> -> memref<1000000x32xf32, #tpu.memory_space<hbm>>
      tpu.wait_indirect_dma semaphore(%arg7 : memref<!tpu.dma_semaphore, #tpu.memory_space<semaphore_mem>>) src(%dma_wait3A_583 : memref<1000000x32xf32, #tpu.memory_space<hbm>>) dst(%dma_wait3A_577 : memref<128x32xf32, #tpu.memory_space<vmem>>)
      %dma_wait3A_584 = arith.constant 23 : i32
      %dma_wait3A_585 = arith.constant 2944 : i32
      %dma_wait3A_586 = arith.constant 0 : i32
      %dma_wait3A_587 = tpu.memref_slice %arg6[%dma_wait3A_585, %dma_wait3A_586] : memref<3200x32xf32, #tpu.memory_space<vmem>> -> memref<128x32xf32, #tpu.memory_space<vmem>>
      %dma_wait3A_588 = arith.constant 0 : i32
      %dma_wait3A_589 = tpu.memref_slice %arg5[%dma_wait3A_584, %dma_wait3A_588] : memref<200x128xi32, #tpu.memory_space<vmem>> -> memref<1x128xi32, #tpu.memory_space<vmem>>
      %dma_wait3A_590 = tpu.memref_squeeze %dma_wait3A_589 : memref<1x128xi32, #tpu.memory_space<vmem>> -> memref<128xi32, #tpu.memory_space<vmem>>
      %dma_wait3A_591 = arith.constant 0 : i32
      %dma_wait3A_592 = arith.constant 0 : i32
      %dma_wait3A_593 = tpu.memref_slice %arg3[%dma_wait3A_591, %dma_wait3A_592] : memref<1000000x32xf32, #tpu.memory_space<hbm>> -> memref<1000000x32xf32, #tpu.memory_space<hbm>>
      tpu.wait_indirect_dma semaphore(%arg7 : memref<!tpu.dma_semaphore, #tpu.memory_space<semaphore_mem>>) src(%dma_wait3A_593 : memref<1000000x32xf32, #tpu.memory_space<hbm>>) dst(%dma_wait3A_587 : memref<128x32xf32, #tpu.memory_space<vmem>>)
      %dma_wait3A_594 = arith.constant 24 : i32
      %dma_wait3A_595 = arith.constant 3072 : i32
      %dma_wait3A_596 = arith.constant 0 : i32
      %dma_wait3A_597 = tpu.memref_slice %arg6[%dma_wait3A_595, %dma_wait3A_596] : memref<3200x32xf32, #tpu.memory_space<vmem>> -> memref<128x32xf32, #tpu.memory_space<vmem>>
      %dma_wait3A_598 = arith.constant 0 : i32
      %dma_wait3A_599 = tpu.memref_slice %arg5[%dma_wait3A_594, %dma_wait3A_598] : memref<200x128xi32, #tpu.memory_space<vmem>> -> memref<1x128xi32, #tpu.memory_space<vmem>>
      %dma_wait3A_600 = tpu.memref_squeeze %dma_wait3A_599 : memref<1x128xi32, #tpu.memory_space<vmem>> -> memref<128xi32, #tpu.memory_space<vmem>>
      %dma_wait3A_601 = arith.constant 0 : i32
      %dma_wait3A_602 = arith.constant 0 : i32
      %dma_wait3A_603 = tpu.memref_slice %arg3[%dma_wait3A_601, %dma_wait3A_602] : memref<1000000x32xf32, #tpu.memory_space<hbm>> -> memref<1000000x32xf32, #tpu.memory_space<hbm>>
      tpu.wait_indirect_dma semaphore(%arg7 : memref<!tpu.dma_semaphore, #tpu.memory_space<semaphore_mem>>) src(%dma_wait3A_603 : memref<1000000x32xf32, #tpu.memory_space<hbm>>) dst(%dma_wait3A_597 : memref<128x32xf32, #tpu.memory_space<vmem>>)
      %scan3A_604 = arith.constant 0 : i32
      %scan3A_605 = arith.constant 32 : i32
      %scan3A_606 = arith.addi %scan3A_604, %scan3A_605 : i32
      %scan3A_607 = arith.constant 1 : i32
      scf.for %scan3A_609 = %scan3A_604 to %scan3A_606 step %scan3A_607  : i32 {
        %mul3A_610 = arith.constant 1 : i32
        %mul3A_611 = arith.muli %scan3A_609, %mul3A_610 : i32
        %add3A_612 = arith.constant 0 : i32
        %add3A_613 = arith.addi %add3A_612, %mul3A_611 : i32
        %mul3A_614 = arith.constant 50 : i32
        %mul3A_615 = arith.muli %add3A_613, %mul3A_614 : i32
        %add3A_616 = arith.constant 1600 : i32
        %add3A_617 = arith.addi %add3A_616, %mul3A_615 : i32
        %mul3A_618 = arith.constant 64 : i32
        %mul3A_619 = arith.muli %add3A_23, %mul3A_618 : i32
        %add3A_620 = arith.addi %mul3A_2, %mul3A_619 : i32
        %add3A_621 = arith.constant 32 : i32
        %add3A_622 = arith.addi %add3A_620, %add3A_621 : i32
        %add3A_623 = arith.addi %add3A_622, %add3A_613 : i32
        %dma_start3A_624 = arith.constant 0 : i32
        %dma_start3A_625 = tpu.memref_slice %arg6[%add3A_617, %dma_start3A_624] : memref<3200x32xf32, #tpu.memory_space<vmem>> -> memref<50x32xf32, #tpu.memory_space<vmem>>
        %dma_start3A_626 = arith.constant 0 : i32
        %dma_start3A_627 = arith.constant 0 : i32
        %dma_start3A_628 = tpu.memref_slice %arg4[%add3A_623, %dma_start3A_626, %dma_start3A_627] : memref<16384x56x128xf32, #tpu.memory_space<hbm>> -> memref<1x50x32xf32, #tpu.memory_space<hbm>>
        %dma_start3A_629 = tpu.memref_squeeze %dma_start3A_628 : memref<1x50x32xf32, #tpu.memory_space<hbm>> -> memref<50x32xf32, #tpu.memory_space<hbm>>
        %dma_start3A_630 = arith.constant 0 : i32
        %dma_start3A_631 = arith.constant 0 : i32
        %dma_start3A_632 = tpu.memref_slice %arg4[%add3A_623, %dma_start3A_630, %dma_start3A_631] : memref<16384x56x128xf32, #tpu.memory_space<hbm>> -> memref<1x50x32xf32, #tpu.memory_space<hbm>>
        %dma_start3A_633 = tpu.memref_squeeze %dma_start3A_632 : memref<1x50x32xf32, #tpu.memory_space<hbm>> -> memref<50x32xf32, #tpu.memory_space<hbm>>
        %dma_start3A_634 = arith.constant 0 : i32
        %dma_start3A_635 = tpu.memref_slice %arg6[%add3A_617, %dma_start3A_634] : memref<3200x32xf32, #tpu.memory_space<vmem>> -> memref<50x32xf32, #tpu.memory_space<vmem>>
        tpu.enqueue_dma source(%dma_start3A_635 : memref<50x32xf32, #tpu.memory_space<vmem>>) target(%dma_start3A_633 : memref<50x32xf32, #tpu.memory_space<hbm>>) target_semaphore(%arg9 : memref<!tpu.dma_semaphore, #tpu.memory_space<semaphore_mem>>)
      }
      %scan3A_608 = arith.constant 32 : i32
    }
    %scan3A_8 = arith.constant 8 : i32
    %scan3A_9 = arith.constant 0 : i32
    %scan3A_10 = arith.constant 32 : i32
    %scan3A_11 = arith.addi %scan3A_9, %scan3A_10 : i32
    %scan3A_12 = arith.constant 1 : i32
    scf.for %scan3A_19 = %scan3A_9 to %scan3A_11 step %scan3A_12  : i32 {
      %mul3A_20 = arith.constant 1 : i32
      %mul3A_21 = arith.muli %scan3A_19, %mul3A_20 : i32
      %add3A_22 = arith.constant 0 : i32
      %add3A_23 = arith.addi %add3A_22, %mul3A_21 : i32
      %dma_wait3A = arith.constant 0 : i32
      %dma_wait3A_24 = arith.constant 0 : i32
      %dma_wait3A_25 = tpu.memref_slice %arg6[%dma_wait3A, %dma_wait3A_24] : memref<3200x32xf32, #tpu.memory_space<vmem>> -> memref<50x32xf32, #tpu.memory_space<vmem>>
      %dma_wait3A_26 = arith.constant 0 : i32
      %dma_wait3A_27 = arith.constant 0 : i32
      %dma_wait3A_28 = tpu.memref_slice %arg4[%mul3A_2, %dma_wait3A_26, %dma_wait3A_27] : memref<16384x56x128xf32, #tpu.memory_space<hbm>> -> memref<1x50x32xf32, #tpu.memory_space<hbm>>
      %dma_wait3A_29 = tpu.memref_squeeze %dma_wait3A_28 : memref<1x50x32xf32, #tpu.memory_space<hbm>> -> memref<50x32xf32, #tpu.memory_space<hbm>>
      %dma_wait3A_30 = arith.constant 0 : i32
      %dma_wait3A_31 = arith.constant 0 : i32
      %dma_wait3A_32 = tpu.memref_slice %arg4[%mul3A_2, %dma_wait3A_30, %dma_wait3A_31] : memref<16384x56x128xf32, #tpu.memory_space<hbm>> -> memref<1x50x32xf32, #tpu.memory_space<hbm>>
      %dma_wait3A_33 = tpu.memref_squeeze %dma_wait3A_32 : memref<1x50x32xf32, #tpu.memory_space<hbm>> -> memref<50x32xf32, #tpu.memory_space<hbm>>
      %dma_wait3A_34 = arith.constant 0 : i32
      %dma_wait3A_35 = arith.constant 0 : i32
      %dma_wait3A_36 = tpu.memref_slice %arg6[%dma_wait3A_34, %dma_wait3A_35] : memref<3200x32xf32, #tpu.memory_space<vmem>> -> memref<50x32xf32, #tpu.memory_space<vmem>>
      tpu.wait_dma2 semaphore(%arg8 : memref<!tpu.dma_semaphore, #tpu.memory_space<semaphore_mem>>) src(%dma_wait3A_36 : memref<50x32xf32, #tpu.memory_space<vmem>>) dst(%dma_wait3A_33 : memref<50x32xf32, #tpu.memory_space<hbm>>)
    }
    %scan3A_13 = arith.constant 32 : i32
    %scan3A_14 = arith.constant 0 : i32
    %scan3A_15 = arith.constant 32 : i32
    %scan3A_16 = arith.addi %scan3A_14, %scan3A_15 : i32
    %scan3A_17 = arith.constant 1 : i32
    scf.for %scan3A_19 = %scan3A_14 to %scan3A_16 step %scan3A_17  : i32 {
      %mul3A_20 = arith.constant 1 : i32
      %mul3A_21 = arith.muli %scan3A_19, %mul3A_20 : i32
      %add3A_22 = arith.constant 0 : i32
      %add3A_23 = arith.addi %add3A_22, %mul3A_21 : i32
      %dma_wait3A = arith.constant 0 : i32
      %dma_wait3A_24 = arith.constant 0 : i32
      %dma_wait3A_25 = tpu.memref_slice %arg6[%dma_wait3A, %dma_wait3A_24] : memref<3200x32xf32, #tpu.memory_space<vmem>> -> memref<50x32xf32, #tpu.memory_space<vmem>>
      %dma_wait3A_26 = arith.constant 0 : i32
      %dma_wait3A_27 = arith.constant 0 : i32
      %dma_wait3A_28 = tpu.memref_slice %arg4[%mul3A_2, %dma_wait3A_26, %dma_wait3A_27] : memref<16384x56x128xf32, #tpu.memory_space<hbm>> -> memref<1x50x32xf32, #tpu.memory_space<hbm>>
      %dma_wait3A_29 = tpu.memref_squeeze %dma_wait3A_28 : memref<1x50x32xf32, #tpu.memory_space<hbm>> -> memref<50x32xf32, #tpu.memory_space<hbm>>
      %dma_wait3A_30 = arith.constant 0 : i32
      %dma_wait3A_31 = arith.constant 0 : i32
      %dma_wait3A_32 = tpu.memref_slice %arg4[%mul3A_2, %dma_wait3A_30, %dma_wait3A_31] : memref<16384x56x128xf32, #tpu.memory_space<hbm>> -> memref<1x50x32xf32, #tpu.memory_space<hbm>>
      %dma_wait3A_33 = tpu.memref_squeeze %dma_wait3A_32 : memref<1x50x32xf32, #tpu.memory_space<hbm>> -> memref<50x32xf32, #tpu.memory_space<hbm>>
      %dma_wait3A_34 = arith.constant 0 : i32
      %dma_wait3A_35 = arith.constant 0 : i32
      %dma_wait3A_36 = tpu.memref_slice %arg6[%dma_wait3A_34, %dma_wait3A_35] : memref<3200x32xf32, #tpu.memory_space<vmem>> -> memref<50x32xf32, #tpu.memory_space<vmem>>
      tpu.wait_dma2 semaphore(%arg9 : memref<!tpu.dma_semaphore, #tpu.memory_space<semaphore_mem>>) src(%dma_wait3A_36 : memref<50x32xf32, #tpu.memory_space<vmem>>) dst(%dma_wait3A_33 : memref<50x32xf32, #tpu.memory_space<hbm>>)
    }
    %scan3A_18 = arith.constant 32 : i32
    return
  }
}

</mosaic_0001>

<sc_bundles>
// kernel: kernel.3.cloned.1.call-start
scs
__scs_entry_jumppad:
0x0: {  	(pc) =	sbr.rel $0x88, $3  }
0x1: {  	(tag) =	ssettag $0x0;
	lr =	simm.s32 $0x1  }
0x2: {  	[smem:$0x3F9F] =	sst lr;
	_ =	strace $0xD0000000  }
0x3: {  	_ = 	snop  }
0x4: {  	_ = 	snop  }
0x5: {  	_ = 	snop  }
0x6: {  	_ = 	snop  }
0x7: {  	_ = 	snop  }
__scs_overlays_trampoline_lowered:
0x8: {  	[smem:$0x3FAE] =	sst s0  }
0x9: {  	[smem:$0x3FAF] =	sst s1  }
0xa: {  	[smem:$0x3FB0] =	sst s2  }
0xb: {  	[smem:$0x3FB1] =	sst s3  }
0xc: {  	[smem:$0x3FB2] =	sst s4  }
0xd: {  	[smem:$0x3FB3] =	sst s5  }
0xe: {  	[smem:$0x3FB4] =	sst s6  }
0xf: {  	[smem:$0x3FB5] =	sst s7  }
0x10: {  	[smem:$0x3FB6] =	sst s8  }
0x11: {  	[smem:$0x3FB7] =	sst s9;
	s0 =	simm.s32 @!p0 $0x0  }
0x12: {  	s1 =	sld [smem:$0x3F9D];
	s0 =	simm.s32 @p0 $0x1  }
0x13: {  	[smem:$0x3FB8] =	sst s0;
	s0 =	simm.s32 @!p1 $0x0  }
0x14: {  	s2 =	sld [smem:$0x3F9C];
	s0 =	simm.s32 @p1 $0x1  }
0x15: {  	[smem:$0x3FB9] =	sst s0;
	s0 =	simm.s32 @!p2 $0x0  }
0x16: {  	s3 =	sld [smem:$0x3FDB];
	s0 =	simm.s32 @p2 $0x1  }
0x17: {  	s4 =	simm.s32 $0x1BF5;
	[smem:$0x3FBB] =	sst s0  }
0x18: {  	s0 =	sld [smem:$0x3F9E];
	_ =	swait.ge [sflag:s4], $0x0  }
0x19: {  	s7 =	sld [smem:$0x3F9F]  }
0x1a: {  	s8 =	sadd.s32 $0xFFFFE003, lr  }
0x1b: {  	s9 =	sadd.s32 $0xFFFFFEF7, lr;
	s5 =	simm.s32 $0xFFFFFFFF;
	p2 =	slt.u32 s8, $0xFFFFF086  }
0x1c: {  	p1 =	slt.u32 s9, $0xF7A;
	s5 =	simm.s32 @!p2 $0x0  }
0x1d: {  	s5 =	simm.s32 @p1 $0x1;
	p0 =	seq.s32 s7, s2  }
0x1e: {  	s7 =	smul.u32 @!p0 $0xF7A, s2;
	p2 =	seq.s32 @!p0 s5, $0x0  }
0x1f: {  	s9 =	smul.u32 $0xF7A, s1;
	s8 =	simm.s32 @!p0 $0x1BF5;
	p2 =	por !p2, p0  }
0x20: {  	[sflag:s8] =	ssyncset.s32 @!p0 $0xFFFFF086;
	s6 =	sadd.s32 @!p0 s3, s7;
	s7 =	simm.s32 @!p0 $0x108  }
0x21: {  	s3 =	sadd.s32 s3, s9;
	s6 =	sadd.s32 @!p0 $0x88, s6;
	s7 =	simm.s32 @p2 $0x1082  }
0x22: {  	[simem:s7], [sflag:s8] =	dma.local @!p0 [hbm:s6], $0xF7A  }
0x23: {  	s9 =	sor.u32 $0xD0000000, s2;
	s6 =	simm.s32 $0x108;
	_ =	swait.ge @!p0 [sflag:s8], $0x0  }
0x24: {  	s3 =	sadd.s32 $0x88, s3;
	s6 =	simm.s32 @!p1 $0x1082;
	[sflag:s4] =	ssyncset.s32 $0xFFFFF086  }
0x25: {  	[simem:s6], [sflag:s4] =	dma.local [hbm:s3], $0xF7A  }
0x26: {  	[smem:$0x3F9F] =	sst s1;
	(tag) =	ssettag s2;
	_ =	strace s9  }
0x27: {  	s1 =	sld [smem:$0x3FAF]  }
0x28: {  	s2 =	sld [smem:$0x3FB0]  }
0x29: {  	s4 =	sld [smem:$0x3FB2]  }
0x2a: {  	p0 =	seq.s32 s5, $0x0;
	s5 =	sld [smem:$0x3FB3]  }
0x2b: {  	s6 =	sld [smem:$0x3FB4]  }
0x2c: {  	s7 =	sld [smem:$0x3FB5]  }
0x2d: {  	s3 =	simm.s32 $0x108;
	s8 =	sld [smem:$0x3FB6]  }
0x2e: {  	s3 =	simm.s32 @!p0 $0x1082;
	s9 =	sld [smem:$0x3FB7]  }
0x2f: {  	lr =	sadd.s32 s0, s3;
	s0 =	sld [smem:$0x3FAE]  }
0x30: {  	s3 =	sld [smem:$0x3FB1]  }
0x31: {  	[smem:$0x3FBA] =	sst s10  }
0x32: {  	s10 =	sld [smem:$0x3FB8];
	_ =	sdelay $0x3  }
0x33: {  	p0 =	seq.s32 s10, $0x1;
	s10 =	sld [smem:$0x3FBA];
	_ =	sdelay $0x3  }
0x34: {  	[smem:$0x3FBA] =	sst s10  }
0x35: {  	s10 =	sld [smem:$0x3FB9];
	_ =	sdelay $0x3  }
0x36: {  	p1 =	seq.s32 s10, $0x1;
	s10 =	sld [smem:$0x3FBA];
	_ =	sdelay $0x3  }
0x37: {  	[smem:$0x3FBA] =	sst s10  }
0x38: {  	s10 =	sld [smem:$0x3FBB]  }
0x39: {  	_ = 	snop;
	(pc) =	sbr.ind lr, $3  }
0x3a: {  	_ = 	snop  }
0x3b: {  	_ = 	snop  }
0x3c: {  	p2 =	seq.s32 s10, $0x1;
	s10 =	sld [smem:$0x3FBA]  }
0x3d: {  	_ =	shalt  }
0x3e: {  	_ =	shalt  }
0x3f: {  	_ =	shalt  }
0x40: {  	_ =	shalt  }
0x41: {  	_ =	shalt  }
0x42: {  	_ =	shalt  }
0x43: {  	_ =	shalt  }
0x44: {  	_ =	shalt  }
0x45: {  	_ =	shalt  }
0x46: {  	_ =	shalt  }
0x47: {  	_ =	shalt  }
0x48: {  	_ =	shalt  }
0x49: {  	_ =	shalt  }
0x4a: {  	_ =	shalt  }
0x4b: {  	_ =	shalt  }
0x4c: {  	_ =	shalt  }
0x4d: {  	_ =	shalt  }
0x4e: {  	_ =	shalt  }
0x4f: {  	_ =	shalt  }
0x50: {  	_ =	shalt  }
0x51: {  	_ =	shalt  }
0x52: {  	_ =	shalt  }
0x53: {  	_ =	shalt  }
0x54: {  	_ =	shalt  }
0x55: {  	_ =	shalt  }
0x56: {  	_ =	shalt  }
0x57: {  	_ =	shalt  }
0x58: {  	_ =	shalt  }
0x59: {  	_ =	shalt  }
0x5a: {  	_ =	shalt  }
0x5b: {  	_ =	shalt  }
0x5c: {  	_ =	shalt  }
0x5d: {  	_ =	shalt  }
0x5e: {  	_ =	shalt  }
0x5f: {  	_ =	shalt  }
0x60: {  	_ =	shalt  }
0x61: {  	_ =	shalt  }
0x62: {  	_ =	shalt  }
0x63: {  	_ =	shalt  }
0x64: {  	_ =	shalt  }
0x65: {  	_ =	shalt  }
0x66: {  	_ =	shalt  }
0x67: {  	_ =	shalt  }
0x68: {  	_ =	shalt  }
0x69: {  	_ =	shalt  }
0x6a: {  	_ =	shalt  }
0x6b: {  	_ =	shalt  }
0x6c: {  	_ =	shalt  }
0x6d: {  	_ =	shalt  }
0x6e: {  	_ =	shalt  }
0x6f: {  	_ =	shalt  }
0x70: {  	_ =	shalt  }
0x71: {  	_ =	shalt  }
0x72: {  	_ =	shalt  }
0x73: {  	_ =	shalt  }
0x74: {  	_ =	shalt  }
0x75: {  	_ =	shalt  }
0x76: {  	_ =	shalt  }
0x77: {  	_ =	shalt  }
0x78: {  	_ =	shalt  }
0x79: {  	_ =	shalt  }
0x7a: {  	_ =	shalt  }
0x7b: {  	_ =	shalt  }
0x7c: {  	_ =	shalt  }
0x7d: {  	_ =	shalt  }
0x7e: {  	_ =	shalt  }
0x7f: {  	_ =	shalt  }
0x80: {  	_ =	shalt  }
0x81: {  	_ =	shalt  }
0x82: {  	_ =	shalt  }
0x83: {  	_ =	shalt  }
0x84: {  	_ =	shalt  }
0x85: {  	_ =	shalt  }
0x86: {  	_ =	shalt  }
0x87: {  	_ =	shalt  }
.Lfunc_end0:
.L_simem_size_0:
called_computation.1_lowered:
.L_overlay_start_0:
0x88: {  	s2 =	sld [smem:$0x3FD9]  }
0x89: {  	s3 =	sld [smem:$0x3FFE];
	_ =	sdelay $0x1  }
0x8a: {  	s1 =	srdreg.scid  }
0x8b: {  	s0 =	sand.u32 $0x1, s1  }
0x8c: {  	s17 =	sshll.u32 s0, $0xA;
	s2 =	sadd.s32 s3, s2  }
0x8d: {  	s2 =	sadd.s32 s2, s17  }
0x8e: {  	[smem:$0x3FC6] =	sst s2  }
0x8f: {  	_ = 	snop  }
0x90: {  	s2 =	sld [smem:$0x3FD0];
	(tm) =	ssettm $0x1  }
0x91: {  	s18 =	sld [smem:$0x3FFB];
	_ =	sdelay $0x3  }
0x92: {  	_ =	strace s18  }
0x93: {  	s3 =	sld [smem:$0x3FFC];
	_ =	sdelay $0x3  }
0x94: {  	_ =	strace s3  }
0x95: {  	s3 =	sld [smem:$0x3FFD];
	_ =	sdelay $0x3  }
0x96: {  	_ =	strace s3  }
0x97: {  	_ =	strace $0x8FFFFFFF  }
0x98: {  	s19 =	sld [smem:$0x3FDB];
	_ =	sdelay $0x1  }
0x99: {  	s4 =	simm.s32 $_scs_section_size  }
0x9a: {  	s5 =	simm.s32 $_size__tile_overlayer_lowered;
	s6 =	simm.s32 $_tile_overlayer_lowered  }
0x9b: {  	s22 =	simm.s32 $0x1BFF;
	s21 =	sshll.u32 s6, $0x1;
	s3 =	sadd.s32 s4, s19  }
0x9c: {  	s7 =	simm.s32 $0x0;
	s20 =	sshll.u32 s5, $0x1;
	s5 =	sadd.s32 s21, s3  }
0x9d: {  	[timem:s7], [sflag:s22] =	dma.local [hbm:s5], s20  }
0x9e: {  	_ =	swait.ge [sflag:s22], s20  }
0x9f: {  	s4 =	ssub.s32 $0x0, s20;
	[sflag:s22] =	ssyncset.done $0x0  }
0xa0: {  	[sflag:s22] =	ssyncadd.s32 s4;
	_ =	sdelay $0x1  }
0xa1: {  	s23 =	simm.s32 $0x1B8B  }
0xa2: {  	_ =	swait.ge [sflag:s23], $0x1  }
0xa3: {  	[sflag:s23] =	ssyncset.done $0x0  }
0xa4: {  	s25 =	simm.s32 $0x1B8E;
	s24 =	sld [smem:$0x3FFE];
	[sflag:s23] =	ssyncadd.s32 $0xFFFFFFFF  }
0xa5: {  	s26 =	simm.s32 $execute0_lowered;
	[smem:$0x3FD2] =	sst s25  }
0xa6: {  	s5 =	sshll.u32 s26, $0x1;
	_ =	strace $0x80000046;
	[dreg:$0x1] =	wrdreg $0xFFFFFFFF  }
0xa7: {  	s28 =	simm.s32 $_size_execute0_lowered;
	s3 =	sadd.s32 s3, s5;
	[dreg:$0x0] =	wrdreg $0x0  }
0xa8: {  	s5 =	sshll.u32 s28, $0x1;
	[dreg:$0x2] =	wrdreg s3  }
0xa9: {  	[dreg:$0x3] =	wrdreg s5  }
0xaa: {  	[dreg:$0x4] =	wrdreg $0xC0  }
0xab: {  	_ =	task [dreg:s7], $0x5FFFF  }
0xac: {  	[dreg:$0x1] =	wrdreg $0xFFFFFFFF  }
0xad: {  	[dreg:$0x0] =	wrdreg $0x60  }
0xae: {  	[dreg:$0x2] =	wrdreg s2  }
0xaf: {  	[dreg:$0x3] =	wrdreg s24  }
0xb0: {  	[dreg:$0x4] =	wrdreg $0x9  }
0xb1: {  	_ =	task.clear_ibuf [dreg:s7], $0x5FFFF;
	_ =	strace $0x90000046  }
0xb2: {  	s29 =	simm.s32 $0x9;
	_ =	strace $0x80000048  }
0xb3: {  	_ =	swait.ge [sflag:s29], $0x1  }
0xb4: {  	[sflag:s29] =	ssyncadd.s32 $0xFFFFFFFF  }
0xb5: {  	_ =	strace $0x90000048  }
0xb6: {  	_ =	sfence  }
0xb7: {  	s30 =	sld [smem:$0x0];
	_ =	sdelay $0x2  }
0xb8: {  	s31 =	sshll.u32 s1, $0xD;
	s1 =	sshrl.u32 s1, $0x2  }
0xb9: {  	s3 =	sand.u32 $0x4000, s31;
	s1 =	sadd.s32 s1, s30  }
0xba: {  	s0 =	sor.u32 s3, s0;
	s1 =	sshll.u32 s1, $0x11  }
0xbb: {  	s0 =	sor.u32 s1, s0  }
0xbc: {  	s0 =	sadd.s32 $0x8F2B, s0  }
0xbd: {  	[sflag:s0] =	ssyncadd.remote.s32 $0x1  }
0xbe: {  	_ =	sfence.sel $0xFFFF  }
0xbf: {  	[dreg:$0x0] =	wrdreg $0xFFFFFFFF;
	(pc) =	sbr.abs _section_cstart, $3  }
0xc0: {  	[dreg:$0x1] =	wrdreg $0xFFFFFFFF  }
0xc1: {  	_ =	task.clear_ibuf [dreg:s7], $0x2FFFF;
	_ =	strace $0x9FFFFFFF  }
0xc2: {  	(tm) =	ssettm $0x7FFFFFFF  }
0xc3: {  	_ =	shalt  }
tec
execute0_lowered:
.L_overlay_start_1:
0x0: {  	(tag) =	ssettag $0x1  }
0x1: {  	s0 =	rddreg [dreg:$0x0]  }
0x2: {  	s1 =	rddreg [dreg:$0x1];
	s2 =	simm.s32 $0x0;
	s20 =	srdreg.scid  }
0x3: {  	s9 =	stileid.u32;
	s17 =	simm.s32 $0xE400;
	s18 =	simm.s32 $0xF400  }
0x4: {  	s19 =	simm.s32 $0x10400;
	s28 =	simm.s32 $0x16400;
	s29 =	simm.s32 $0x17400  }
0x5: {  	s30 =	simm.s32 $0x18400;
	s31 =	simm.s32 $0x19400;
	s10 =	simm.s32 $0x0  }
0x6: {  	[smem:$0x7FF] =	sst s2;
	s3 =	sadd.s32 $0xF42E00, s1;
	s2 =	sand.u32 $0x1, s20  }
0x7: {  	s4 =	sshll.u32 s9, $0x1;
	s5 =	smul.u32 $0x700000, s9;
	s1 =	sadd.s32 $0xA00, s1  }
0x8: {  	s21 =	smul.u32 $0xE0000, s9;
	s9 =	simm.s32 $0x80;
	s20 =	simm.s32 $0x11400  }
0x9: {  	_ =	strace $0x80000047;
	s6 =	ssub.s32 $0x2, s2;
	s7 =	smul.u32 $0x380000, s2  }
0xa: {  	s4 =	sor.u32 s2, s4;
	s22 =	smul.u32 $0x70000, s2;
	s8 =	sshrl.u32 s6, $0x1  }
0xb: {  	s4 =	smul.u32 $0xC80, s4;
	s25 =	sadd.s32 s21, s1;
	s21 =	simm.s32 $0x12400  }
0xc: {  	s6 =	ssub.s32 s6, s8;
	s5 =	sadd.s32 s7, s5;
	s7 =	simm.s32 $0x3  }
0xd: {  	s0 =	sadd.s32 s0, s4;
	s23 =	sor.u32 $0x38000, s5;
	s24 =	smax.u32 s6, $0x1  }
0xe: {  	s4 =	simm.s32 $0x1D400;
	s5 =	simm.s32 $0x1E400;
	[dreg:$0x3] =	wrdreg s0  }
0xf: {  	s6 =	simm.s32 $0x2;
	[dreg:$0x4] =	wrdreg s24;
	s2 =	sshrl.u32 s23, $0x3  }
0x10: {  	s0 =	sadd.s32 s22, s25;
	s22 =	simm.s32 $0x1;
	s23 =	simm.s32 $0x20  }
0x11: {  	s24 =	simm.s32 $0x13400;
	s25 =	simm.s32 $0x14400;
	[dreg:$0x5] =	wrdreg s0  }
0x12: {  	s26 =	sadd.s32 s2, s1;
	s0 =	simm.s32 $0x1A400;
	s2 =	simm.s32 $0x1B400  }
0x13: {  	s1 =	simm.s32 $0x1C400;
	[dreg:$0x6] =	wrdreg s26;
	s26 =	simm.s32 $0x15400  }
.LBB2_1:
0x14: {  	[dreg:$0x7] =	wrdreg s10  }
0x15: {  	s8 =	simm.s32 $0x0;
	s15 =	rddreg [dreg:$0x3];
	s16 =	simm.s32 $0x4  }
0x16: {  	[tilespmem:s8], [sflag:$0x4] =	stream.linear.gather [hbm4b:s15+s8], $0x6400, $0x38;
	[tilespmem:$0x1F400] =	vst v63  }
0x17: {  	_ =	swait.ge [sflag:s16], $0x6400  }
0x18: {  	[sflag:s16] =	ssyncset.done $0x0;
	s8 =	rddreg [dreg:$0x6]  }
0x19: {  	s11 =	simm.s32 $0x0;
	s10 =	rddreg [dreg:$0x5];
	[sflag:s16] =	ssyncadd.s32 $0xFFFF9C00  }
.LBB2_2:
0x1a: {  	p0 =	seq.s32 s11, $0x0  }
.Ltmp0:
0x1b: {  	_ = 	snop;
	(pc) =	sbr.rel @p0 .LBB2_4-.Ltmp0, $1  }
0x1c: {  	_ =	sdelay $0x3  }
0x1d: {  	_ =	swait.ge [sflag:s6], $0x640  }
0x1e: {  	[sflag:s6] =	ssyncset.done $0x0  }
0x1f: {  	[sflag:s6] =	ssyncadd.s32 $0xFFFFF9C0  }
0x20: {  	_ =	swait.ge [sflag:s6], $0x640  }
0x21: {  	[sflag:s6] =	ssyncset.done $0x0  }
0x22: {  	[sflag:s6] =	ssyncadd.s32 $0xFFFFF9C0  }
0x23: {  	_ =	swait.ge [sflag:s6], $0x640  }
0x24: {  	[sflag:s6] =	ssyncset.done $0x0  }
0x25: {  	[sflag:s6] =	ssyncadd.s32 $0xFFFFF9C0  }
0x26: {  	_ =	swait.ge [sflag:s6], $0x640  }
0x27: {  	[sflag:s6] =	ssyncset.done $0x0  }
0x28: {  	[sflag:s6] =	ssyncadd.s32 $0xFFFFF9C0  }
0x29: {  	_ =	swait.ge [sflag:s6], $0x640  }
0x2a: {  	[sflag:s6] =	ssyncset.done $0x0  }
0x2b: {  	[sflag:s6] =	ssyncadd.s32 $0xFFFFF9C0  }
0x2c: {  	_ =	swait.ge [sflag:s6], $0x640  }
0x2d: {  	[sflag:s6] =	ssyncset.done $0x0  }
0x2e: {  	[sflag:s6] =	ssyncadd.s32 $0xFFFFF9C0  }
0x2f: {  	_ =	swait.ge [sflag:s6], $0x640  }
0x30: {  	[sflag:s6] =	ssyncset.done $0x0  }
0x31: {  	[sflag:s6] =	ssyncadd.s32 $0xFFFFF9C0  }
0x32: {  	_ =	swait.ge [sflag:s6], $0x640  }
0x33: {  	[sflag:s6] =	ssyncset.done $0x0  }
0x34: {  	[sflag:s6] =	ssyncadd.s32 $0xFFFFF9C0  }
0x35: {  	_ =	swait.ge [sflag:s6], $0x640  }
0x36: {  	[sflag:s6] =	ssyncset.done $0x0  }
0x37: {  	[sflag:s6] =	ssyncadd.s32 $0xFFFFF9C0  }
0x38: {  	_ =	swait.ge [sflag:s6], $0x640  }
0x39: {  	[sflag:s6] =	ssyncset.done $0x0  }
0x3a: {  	[sflag:s6] =	ssyncadd.s32 $0xFFFFF9C0  }
0x3b: {  	_ =	swait.ge [sflag:s6], $0x640  }
0x3c: {  	[sflag:s6] =	ssyncset.done $0x0  }
0x3d: {  	[sflag:s6] =	ssyncadd.s32 $0xFFFFF9C0  }
0x3e: {  	_ =	swait.ge [sflag:s6], $0x640  }
0x3f: {  	[sflag:s6] =	ssyncset.done $0x0  }
0x40: {  	[sflag:s6] =	ssyncadd.s32 $0xFFFFF9C0  }
0x41: {  	_ =	swait.ge [sflag:s6], $0x640  }
0x42: {  	[sflag:s6] =	ssyncset.done $0x0  }
0x43: {  	[sflag:s6] =	ssyncadd.s32 $0xFFFFF9C0  }
0x44: {  	_ =	swait.ge [sflag:s6], $0x640  }
0x45: {  	[sflag:s6] =	ssyncset.done $0x0  }
0x46: {  	[sflag:s6] =	ssyncadd.s32 $0xFFFFF9C0  }
0x47: {  	_ =	swait.ge [sflag:s6], $0x640  }
0x48: {  	[sflag:s6] =	ssyncset.done $0x0  }
0x49: {  	[sflag:s6] =	ssyncadd.s32 $0xFFFFF9C0  }
0x4a: {  	_ =	swait.ge [sflag:s6], $0x640  }
0x4b: {  	[sflag:s6] =	ssyncset.done $0x0  }
0x4c: {  	[sflag:s6] =	ssyncadd.s32 $0xFFFFF9C0  }
0x4d: {  	_ =	swait.ge [sflag:s6], $0x640  }
0x4e: {  	[sflag:s6] =	ssyncset.done $0x0  }
0x4f: {  	[sflag:s6] =	ssyncadd.s32 $0xFFFFF9C0  }
0x50: {  	_ =	swait.ge [sflag:s6], $0x640  }
0x51: {  	[sflag:s6] =	ssyncset.done $0x0  }
0x52: {  	[sflag:s6] =	ssyncadd.s32 $0xFFFFF9C0  }
0x53: {  	_ =	swait.ge [sflag:s6], $0x640  }
0x54: {  	[sflag:s6] =	ssyncset.done $0x0  }
0x55: {  	[sflag:s6] =	ssyncadd.s32 $0xFFFFF9C0  }
0x56: {  	_ =	swait.ge [sflag:s6], $0x640  }
0x57: {  	[sflag:s6] =	ssyncset.done $0x0  }
0x58: {  	[sflag:s6] =	ssyncadd.s32 $0xFFFFF9C0  }
0x59: {  	_ =	swait.ge [sflag:s6], $0x640  }
0x5a: {  	[sflag:s6] =	ssyncset.done $0x0  }
0x5b: {  	[sflag:s6] =	ssyncadd.s32 $0xFFFFF9C0  }
0x5c: {  	_ =	swait.ge [sflag:s6], $0x640  }
0x5d: {  	[sflag:s6] =	ssyncset.done $0x0  }
0x5e: {  	[sflag:s6] =	ssyncadd.s32 $0xFFFFF9C0  }
0x5f: {  	_ =	swait.ge [sflag:s6], $0x640  }
0x60: {  	[sflag:s6] =	ssyncset.done $0x0  }
0x61: {  	[sflag:s6] =	ssyncadd.s32 $0xFFFFF9C0  }
0x62: {  	_ =	swait.ge [sflag:s6], $0x640  }
0x63: {  	[sflag:s6] =	ssyncset.done $0x0  }
0x64: {  	[sflag:s6] =	ssyncadd.s32 $0xFFFFF9C0  }
0x65: {  	_ =	swait.ge [sflag:s6], $0x640  }
0x66: {  	[sflag:s6] =	ssyncset.done $0x0  }
0x67: {  	[sflag:s6] =	ssyncadd.s32 $0xFFFFF9C0  }
0x68: {  	_ =	swait.ge [sflag:s6], $0x640  }
0x69: {  	[sflag:s6] =	ssyncset.done $0x0  }
0x6a: {  	[sflag:s6] =	ssyncadd.s32 $0xFFFFF9C0  }
0x6b: {  	_ =	swait.ge [sflag:s6], $0x640  }
0x6c: {  	[sflag:s6] =	ssyncset.done $0x0  }
0x6d: {  	[sflag:s6] =	ssyncadd.s32 $0xFFFFF9C0  }
0x6e: {  	_ =	swait.ge [sflag:s6], $0x640  }
0x6f: {  	[sflag:s6] =	ssyncset.done $0x0  }
0x70: {  	[sflag:s6] =	ssyncadd.s32 $0xFFFFF9C0  }
0x71: {  	_ =	swait.ge [sflag:s6], $0x640  }
0x72: {  	[sflag:s6] =	ssyncset.done $0x0  }
0x73: {  	[sflag:s6] =	ssyncadd.s32 $0xFFFFF9C0  }
0x74: {  	_ =	swait.ge [sflag:s6], $0x640  }
0x75: {  	[sflag:s6] =	ssyncset.done $0x0  }
0x76: {  	[sflag:s6] =	ssyncadd.s32 $0xFFFFF9C0  }
0x77: {  	_ =	swait.ge [sflag:s6], $0x640  }
0x78: {  	[sflag:s6] =	ssyncset.done $0x0  }
0x79: {  	[sflag:s6] =	ssyncadd.s32 $0xFFFFF9C0  }
0x7a: {  	_ =	swait.ge [sflag:s6], $0x640  }
0x7b: {  	[sflag:s6] =	ssyncset.done $0x0  }
0x7c: {  	[sflag:s6] =	ssyncadd.s32 $0xFFFFF9C0  }
0x7d: {  	_ =	swait.ge [sflag:s7], $0x640  }
0x7e: {  	[sflag:s7] =	ssyncset.done $0x0  }
0x7f: {  	[sflag:s7] =	ssyncadd.s32 $0xFFFFF9C0  }
0x80: {  	_ =	swait.ge [sflag:s7], $0x640  }
0x81: {  	[sflag:s7] =	ssyncset.done $0x0  }
0x82: {  	[sflag:s7] =	ssyncadd.s32 $0xFFFFF9C0  }
0x83: {  	_ =	swait.ge [sflag:s7], $0x640  }
0x84: {  	[sflag:s7] =	ssyncset.done $0x0  }
0x85: {  	[sflag:s7] =	ssyncadd.s32 $0xFFFFF9C0  }
0x86: {  	_ =	swait.ge [sflag:s7], $0x640  }
0x87: {  	[sflag:s7] =	ssyncset.done $0x0  }
0x88: {  	[sflag:s7] =	ssyncadd.s32 $0xFFFFF9C0  }
0x89: {  	_ =	swait.ge [sflag:s7], $0x640  }
0x8a: {  	[sflag:s7] =	ssyncset.done $0x0  }
0x8b: {  	[sflag:s7] =	ssyncadd.s32 $0xFFFFF9C0  }
0x8c: {  	_ =	swait.ge [sflag:s7], $0x640  }
0x8d: {  	[sflag:s7] =	ssyncset.done $0x0  }
0x8e: {  	[sflag:s7] =	ssyncadd.s32 $0xFFFFF9C0  }
0x8f: {  	_ =	swait.ge [sflag:s7], $0x640  }
0x90: {  	[sflag:s7] =	ssyncset.done $0x0  }
0x91: {  	[sflag:s7] =	ssyncadd.s32 $0xFFFFF9C0  }
0x92: {  	_ =	swait.ge [sflag:s7], $0x640  }
0x93: {  	[sflag:s7] =	ssyncset.done $0x0  }
0x94: {  	[sflag:s7] =	ssyncadd.s32 $0xFFFFF9C0  }
0x95: {  	_ =	swait.ge [sflag:s7], $0x640  }
0x96: {  	[sflag:s7] =	ssyncset.done $0x0  }
0x97: {  	[sflag:s7] =	ssyncadd.s32 $0xFFFFF9C0  }
0x98: {  	_ =	swait.ge [sflag:s7], $0x640  }
0x99: {  	[sflag:s7] =	ssyncset.done $0x0  }
0x9a: {  	[sflag:s7] =	ssyncadd.s32 $0xFFFFF9C0  }
0x9b: {  	_ =	swait.ge [sflag:s7], $0x640  }
0x9c: {  	[sflag:s7] =	ssyncset.done $0x0  }
0x9d: {  	[sflag:s7] =	ssyncadd.s32 $0xFFFFF9C0  }
0x9e: {  	_ =	swait.ge [sflag:s7], $0x640  }
0x9f: {  	[sflag:s7] =	ssyncset.done $0x0  }
0xa0: {  	[sflag:s7] =	ssyncadd.s32 $0xFFFFF9C0  }
0xa1: {  	_ =	swait.ge [sflag:s7], $0x640  }
0xa2: {  	[sflag:s7] =	ssyncset.done $0x0  }
0xa3: {  	[sflag:s7] =	ssyncadd.s32 $0xFFFFF9C0  }
0xa4: {  	_ =	swait.ge [sflag:s7], $0x640  }
0xa5: {  	[sflag:s7] =	ssyncset.done $0x0  }
0xa6: {  	[sflag:s7] =	ssyncadd.s32 $0xFFFFF9C0  }
0xa7: {  	_ =	swait.ge [sflag:s7], $0x640  }
0xa8: {  	[sflag:s7] =	ssyncset.done $0x0  }
0xa9: {  	[sflag:s7] =	ssyncadd.s32 $0xFFFFF9C0  }
0xaa: {  	_ =	swait.ge [sflag:s7], $0x640  }
0xab: {  	[sflag:s7] =	ssyncset.done $0x0  }
0xac: {  	[sflag:s7] =	ssyncadd.s32 $0xFFFFF9C0  }
0xad: {  	_ =	swait.ge [sflag:s7], $0x640  }
0xae: {  	[sflag:s7] =	ssyncset.done $0x0  }
0xaf: {  	[sflag:s7] =	ssyncadd.s32 $0xFFFFF9C0  }
0xb0: {  	_ =	swait.ge [sflag:s7], $0x640  }
0xb1: {  	[sflag:s7] =	ssyncset.done $0x0  }
0xb2: {  	[sflag:s7] =	ssyncadd.s32 $0xFFFFF9C0  }
0xb3: {  	_ =	swait.ge [sflag:s7], $0x640  }
0xb4: {  	[sflag:s7] =	ssyncset.done $0x0  }
0xb5: {  	[sflag:s7] =	ssyncadd.s32 $0xFFFFF9C0  }
0xb6: {  	_ =	swait.ge [sflag:s7], $0x640  }
0xb7: {  	[sflag:s7] =	ssyncset.done $0x0  }
0xb8: {  	[sflag:s7] =	ssyncadd.s32 $0xFFFFF9C0  }
0xb9: {  	_ =	swait.ge [sflag:s7], $0x640  }
0xba: {  	[sflag:s7] =	ssyncset.done $0x0  }
0xbb: {  	[sflag:s7] =	ssyncadd.s32 $0xFFFFF9C0  }
0xbc: {  	_ =	swait.ge [sflag:s7], $0x640  }
0xbd: {  	[sflag:s7] =	ssyncset.done $0x0  }
0xbe: {  	[sflag:s7] =	ssyncadd.s32 $0xFFFFF9C0  }
0xbf: {  	_ =	swait.ge [sflag:s7], $0x640  }
0xc0: {  	[sflag:s7] =	ssyncset.done $0x0  }
0xc1: {  	[sflag:s7] =	ssyncadd.s32 $0xFFFFF9C0  }
0xc2: {  	_ =	swait.ge [sflag:s7], $0x640  }
0xc3: {  	[sflag:s7] =	ssyncset.done $0x0  }
0xc4: {  	[sflag:s7] =	ssyncadd.s32 $0xFFFFF9C0  }
0xc5: {  	_ =	swait.ge [sflag:s7], $0x640  }
0xc6: {  	[sflag:s7] =	ssyncset.done $0x0  }
0xc7: {  	[sflag:s7] =	ssyncadd.s32 $0xFFFFF9C0  }
0xc8: {  	_ =	swait.ge [sflag:s7], $0x640  }
0xc9: {  	[sflag:s7] =	ssyncset.done $0x0  }
0xca: {  	[sflag:s7] =	ssyncadd.s32 $0xFFFFF9C0  }
0xcb: {  	_ =	swait.ge [sflag:s7], $0x640  }
0xcc: {  	[sflag:s7] =	ssyncset.done $0x0  }
0xcd: {  	[sflag:s7] =	ssyncadd.s32 $0xFFFFF9C0  }
0xce: {  	_ =	swait.ge [sflag:s7], $0x640  }
0xcf: {  	[sflag:s7] =	ssyncset.done $0x0  }
0xd0: {  	[sflag:s7] =	ssyncadd.s32 $0xFFFFF9C0  }
0xd1: {  	_ =	swait.ge [sflag:s7], $0x640  }
0xd2: {  	[sflag:s7] =	ssyncset.done $0x0  }
0xd3: {  	[sflag:s7] =	ssyncadd.s32 $0xFFFFF9C0  }
0xd4: {  	_ =	swait.ge [sflag:s7], $0x640  }
0xd5: {  	[sflag:s7] =	ssyncset.done $0x0  }
0xd6: {  	[sflag:s7] =	ssyncadd.s32 $0xFFFFF9C0  }
0xd7: {  	_ =	swait.ge [sflag:s7], $0x640  }
0xd8: {  	[sflag:s7] =	ssyncset.done $0x0  }
0xd9: {  	[sflag:s7] =	ssyncadd.s32 $0xFFFFF9C0  }
0xda: {  	_ =	swait.ge [sflag:s7], $0x640  }
0xdb: {  	[sflag:s7] =	ssyncset.done $0x0  }
0xdc: {  	[sflag:s7] =	ssyncadd.s32 $0xFFFFF9C0  }
.LBB2_4:
0xdd: {  	s12 =	smul.u32 $0x3200, s11;
	_ =	sdelay $0x1  }
0xde: {  	s13 =	simm.s32 $0x6400;
	s12 =	sshra.s32 s12, $0x2  }
0xdf: {  	[tilespmem:s13], [sflag:$0x1] =	stream.indirect.gather [hbm4b:s3+s9], $0x20, s12, s9, $0xb8;
	[tilespmem:$0x1F400] =	vst v63  }
0xe0: {  	s15 =	simm.s32 $0x7400;
	s14 =	sadd.s32 $0x80, s12  }
0xe1: {  	[tilespmem:s15], [sflag:$0x1] =	stream.indirect.gather [hbm4b:s3+s9], $0x20, s14, s9, $0xb8;
	[tilespmem:$0x1F400] =	vst v63  }
0xe2: {  	s16 =	simm.s32 $0x8400;
	s15 =	sadd.s32 $0x100, s12  }
0xe3: {  	[tilespmem:s16], [sflag:$0x1] =	stream.indirect.gather [hbm4b:s3+s9], $0x20, s15, s9, $0xb8;
	[tilespmem:$0x1F400] =	vst v63  }
0xe4: {  	s15 =	sadd.s32 $0x180, s12;
	s16 =	simm.s32 $0x9400  }
0xe5: {  	[tilespmem:s16], [sflag:$0x1] =	stream.indirect.gather [hbm4b:s3+s9], $0x20, s15, s9, $0xb8;
	[tilespmem:$0x1F400] =	vst v63  }
0xe6: {  	s15 =	sadd.s32 $0x200, s12;
	s16 =	simm.s32 $0xA400  }
0xe7: {  	[tilespmem:s16], [sflag:$0x1] =	stream.indirect.gather [hbm4b:s3+s9], $0x20, s15, s9, $0xb8;
	[tilespmem:$0x1F400] =	vst v63  }
0xe8: {  	s15 =	sadd.s32 $0x280, s12;
	s16 =	simm.s32 $0xB400  }
0xe9: {  	[tilespmem:s16], [sflag:$0x1] =	stream.indirect.gather [hbm4b:s3+s9], $0x20, s15, s9, $0xb8;
	[tilespmem:$0x1F400] =	vst v63  }
0xea: {  	s15 =	sadd.s32 $0x300, s12;
	s16 =	simm.s32 $0xC400  }
0xeb: {  	[tilespmem:s16], [sflag:$0x1] =	stream.indirect.gather [hbm4b:s3+s9], $0x20, s15, s9, $0xb8;
	[tilespmem:$0x1F400] =	vst v63  }
0xec: {  	s15 =	sadd.s32 $0x380, s12;
	s16 =	simm.s32 $0xD400  }
0xed: {  	[tilespmem:s16], [sflag:$0x1] =	stream.indirect.gather [hbm4b:s3+s9], $0x20, s15, s9, $0xb8;
	[tilespmem:$0x1F400] =	vst v63  }
0xee: {  	s16 =	sadd.s32 $0x400, s12  }
0xef: {  	[tilespmem:s17], [sflag:$0x1] =	stream.indirect.gather [hbm4b:s3+s9], $0x20, s16, s9, $0xb8;
	[tilespmem:$0x1F400] =	vst v63  }
0xf0: {  	s15 =	sadd.s32 $0x480, s12  }
0xf1: {  	[tilespmem:s18], [sflag:$0x1] =	stream.indirect.gather [hbm4b:s3+s9], $0x20, s15, s9, $0xb8;
	[tilespmem:$0x1F400] =	vst v63  }
0xf2: {  	s16 =	sadd.s32 $0x500, s12  }
0xf3: {  	[tilespmem:s19], [sflag:$0x1] =	stream.indirect.gather [hbm4b:s3+s9], $0x20, s16, s9, $0xb8;
	[tilespmem:$0x1F400] =	vst v63  }
0xf4: {  	s15 =	sadd.s32 $0x580, s12  }
0xf5: {  	[tilespmem:s20], [sflag:$0x1] =	stream.indirect.gather [hbm4b:s3+s9], $0x20, s15, s9, $0xb8;
	[tilespmem:$0x1F400] =	vst v63  }
0xf6: {  	s16 =	sadd.s32 $0x600, s12  }
0xf7: {  	[tilespmem:s21], [sflag:$0x1] =	stream.indirect.gather [hbm4b:s3+s9], $0x20, s16, s9, $0xb8;
	[tilespmem:$0x1F400] =	vst v63  }
0xf8: {  	_ =	swait.ge [sflag:s22], $0x1000  }
0xf9: {  	[sflag:s22] =	ssyncset.done $0x0  }
0xfa: {  	[sflag:s22] =	ssyncadd.s32 $0xFFFFF000  }
0xfb: {  	_ =	swait.ge [sflag:s22], $0x1000  }
0xfc: {  	[sflag:s22] =	ssyncset.done $0x0  }
0xfd: {  	[sflag:s22] =	ssyncadd.s32 $0xFFFFF000  }
0xfe: {  	_ =	swait.ge [sflag:s22], $0x1000  }
0xff: {  	[sflag:s22] =	ssyncset.done $0x0  }
0x100: {  	[sflag:s22] =	ssyncadd.s32 $0xFFFFF000  }
0x101: {  	_ =	swait.ge [sflag:s22], $0x1000  }
0x102: {  	[sflag:s22] =	ssyncset.done $0x0  }
0x103: {  	[sflag:s22] =	ssyncadd.s32 $0xFFFFF000  }
0x104: {  	_ =	swait.ge [sflag:s22], $0x1000  }
0x105: {  	[sflag:s22] =	ssyncset.done $0x0  }
0x106: {  	[sflag:s22] =	ssyncadd.s32 $0xFFFFF000  }
0x107: {  	_ =	swait.ge [sflag:s22], $0x1000  }
0x108: {  	[sflag:s22] =	ssyncset.done $0x0  }
0x109: {  	[sflag:s22] =	ssyncadd.s32 $0xFFFFF000  }
0x10a: {  	_ =	swait.ge [sflag:s22], $0x1000  }
0x10b: {  	[sflag:s22] =	ssyncset.done $0x0  }
0x10c: {  	[sflag:s22] =	ssyncadd.s32 $0xFFFFF000  }
0x10d: {  	_ =	swait.ge [sflag:s22], $0x1000  }
0x10e: {  	[sflag:s22] =	ssyncset.done $0x0  }
0x10f: {  	[sflag:s22] =	ssyncadd.s32 $0xFFFFF000  }
0x110: {  	_ =	swait.ge [sflag:s22], $0x1000  }
0x111: {  	[sflag:s22] =	ssyncset.done $0x0  }
0x112: {  	[sflag:s22] =	ssyncadd.s32 $0xFFFFF000  }
0x113: {  	_ =	swait.ge [sflag:s22], $0x1000  }
0x114: {  	[sflag:s22] =	ssyncset.done $0x0  }
0x115: {  	[sflag:s22] =	ssyncadd.s32 $0xFFFFF000  }
0x116: {  	_ =	swait.ge [sflag:s22], $0x1000  }
0x117: {  	[sflag:s22] =	ssyncset.done $0x0  }
0x118: {  	[sflag:s22] =	ssyncadd.s32 $0xFFFFF000  }
0x119: {  	_ =	swait.ge [sflag:s22], $0x1000  }
0x11a: {  	[sflag:s22] =	ssyncset.done $0x0  }
0x11b: {  	[sflag:s22] =	ssyncadd.s32 $0xFFFFF000  }
0x11c: {  	_ =	swait.ge [sflag:s22], $0x1000  }
0x11d: {  	s14 =	simm.s32 $0x380;
	[sflag:s22] =	ssyncset.done $0x0  }
0x11e: {  	s15 =	simm.s32 $0x6A40;
	s16 =	sadd.s32 $0x0, s10;
	[sflag:s22] =	ssyncadd.s32 $0xFFFFF000  }
.LBB2_5:
0x11f: {  	[hbm4b:s16+s23] =	stream.strided.scatter [tilespmem:s13], [sflag:$0x2], $0x640, s9, s23, $0x38;
	[tilespmem:$0x1F400] =	vst v63  }
0x120: {  	s16 =	smov.u32 s14;
	s13 =	smov.u32 s15;
	p0 =	sne.s32 s14, $0x6C80  }
.Ltmp1:
0x121: {  	s14 =	sadd.s32 $0x380, s14;
	(pc) =	sbr.rel @p0 .LBB2_5-.Ltmp1, $2  }
0x122: {  	_ =	sdelay $0x2  }
0x123: {  	s15 =	sadd.s32 $0x640, s15;
	s16 =	sadd.s32 s16, s10  }
0x124: {  	[hbm4b:s16+s23] =	stream.strided.scatter [tilespmem:s13], [sflag:$0x2], $0x640, s9, s23, $0x38;
	[tilespmem:$0x1F400] =	vst v63  }
0x125: {  	s14 =	sadd.s32 $0x680, s12  }
0x126: {  	[tilespmem:s24], [sflag:$0x1] =	stream.indirect.gather [hbm4b:s3+s9], $0x20, s14, s9, $0xb8;
	[tilespmem:$0x1F400] =	vst v63  }
0x127: {  	s15 =	sadd.s32 $0x700, s12  }
0x128: {  	[tilespmem:s25], [sflag:$0x1] =	stream.indirect.gather [hbm4b:s3+s9], $0x20, s15, s9, $0xb8;
	[tilespmem:$0x1F400] =	vst v63  }
0x129: {  	s16 =	sadd.s32 $0x780, s12  }
0x12a: {  	[tilespmem:s26], [sflag:$0x1] =	stream.indirect.gather [hbm4b:s3+s9], $0x20, s16, s9, $0xb8;
	[tilespmem:$0x1F400] =	vst v63  }
0x12b: {  	s14 =	sadd.s32 $0x800, s12  }
0x12c: {  	[tilespmem:s28], [sflag:$0x1] =	stream.indirect.gather [hbm4b:s3+s9], $0x20, s14, s9, $0xb8;
	[tilespmem:$0x1F400] =	vst v63  }
0x12d: {  	s15 =	sadd.s32 $0x880, s12  }
0x12e: {  	[tilespmem:s29], [sflag:$0x1] =	stream.indirect.gather [hbm4b:s3+s9], $0x20, s15, s9, $0xb8;
	[tilespmem:$0x1F400] =	vst v63  }
0x12f: {  	s16 =	sadd.s32 $0x900, s12  }
0x130: {  	[tilespmem:s30], [sflag:$0x1] =	stream.indirect.gather [hbm4b:s3+s9], $0x20, s16, s9, $0xb8;
	[tilespmem:$0x1F400] =	vst v63  }
0x131: {  	s14 =	sadd.s32 $0x980, s12  }
0x132: {  	[tilespmem:s31], [sflag:$0x1] =	stream.indirect.gather [hbm4b:s3+s9], $0x20, s14, s9, $0xb8;
	[tilespmem:$0x1F400] =	vst v63  }
0x133: {  	s15 =	sadd.s32 $0xA00, s12  }
0x134: {  	[tilespmem:s0], [sflag:$0x1] =	stream.indirect.gather [hbm4b:s3+s9], $0x20, s15, s9, $0xb8;
	[tilespmem:$0x1F400] =	vst v63  }
0x135: {  	s16 =	sadd.s32 $0xA80, s12  }
0x136: {  	[tilespmem:s2], [sflag:$0x1] =	stream.indirect.gather [hbm4b:s3+s9], $0x20, s16, s9, $0xb8;
	[tilespmem:$0x1F400] =	vst v63  }
0x137: {  	s14 =	sadd.s32 $0xB00, s12  }
0x138: {  	[tilespmem:s1], [sflag:$0x1] =	stream.indirect.gather [hbm4b:s3+s9], $0x20, s14, s9, $0xb8;
	[tilespmem:$0x1F400] =	vst v63  }
0x139: {  	s15 =	sadd.s32 $0xB80, s12  }
0x13a: {  	[tilespmem:s4], [sflag:$0x1] =	stream.indirect.gather [hbm4b:s3+s9], $0x20, s15, s9, $0xb8;
	[tilespmem:$0x1F400] =	vst v63  }
0x13b: {  	s16 =	sadd.s32 $0xC00, s12  }
0x13c: {  	[tilespmem:s5], [sflag:$0x1] =	stream.indirect.gather [hbm4b:s3+s9], $0x20, s16, s9, $0xb8;
	[tilespmem:$0x1F400] =	vst v63  }
0x13d: {  	_ =	swait.ge [sflag:s22], $0x1000  }
0x13e: {  	[sflag:s22] =	ssyncset.done $0x0  }
0x13f: {  	[sflag:s22] =	ssyncadd.s32 $0xFFFFF000  }
0x140: {  	_ =	swait.ge [sflag:s22], $0x1000  }
0x141: {  	[sflag:s22] =	ssyncset.done $0x0  }
0x142: {  	[sflag:s22] =	ssyncadd.s32 $0xFFFFF000  }
0x143: {  	_ =	swait.ge [sflag:s22], $0x1000  }
0x144: {  	[sflag:s22] =	ssyncset.done $0x0  }
0x145: {  	[sflag:s22] =	ssyncadd.s32 $0xFFFFF000  }
0x146: {  	_ =	swait.ge [sflag:s22], $0x1000  }
0x147: {  	[sflag:s22] =	ssyncset.done $0x0  }
0x148: {  	[sflag:s22] =	ssyncadd.s32 $0xFFFFF000  }
0x149: {  	_ =	swait.ge [sflag:s22], $0x1000  }
0x14a: {  	[sflag:s22] =	ssyncset.done $0x0  }
0x14b: {  	[sflag:s22] =	ssyncadd.s32 $0xFFFFF000  }
0x14c: {  	_ =	swait.ge [sflag:s22], $0x1000  }
0x14d: {  	[sflag:s22] =	ssyncset.done $0x0  }
0x14e: {  	[sflag:s22] =	ssyncadd.s32 $0xFFFFF000  }
0x14f: {  	_ =	swait.ge [sflag:s22], $0x1000  }
0x150: {  	[sflag:s22] =	ssyncset.done $0x0  }
0x151: {  	[sflag:s22] =	ssyncadd.s32 $0xFFFFF000  }
0x152: {  	_ =	swait.ge [sflag:s22], $0x1000  }
0x153: {  	[sflag:s22] =	ssyncset.done $0x0  }
0x154: {  	[sflag:s22] =	ssyncadd.s32 $0xFFFFF000  }
0x155: {  	_ =	swait.ge [sflag:s22], $0x1000  }
0x156: {  	[sflag:s22] =	ssyncset.done $0x0  }
0x157: {  	[sflag:s22] =	ssyncadd.s32 $0xFFFFF000  }
0x158: {  	_ =	swait.ge [sflag:s22], $0x1000  }
0x159: {  	[sflag:s22] =	ssyncset.done $0x0  }
0x15a: {  	[sflag:s22] =	ssyncadd.s32 $0xFFFFF000  }
0x15b: {  	_ =	swait.ge [sflag:s22], $0x1000  }
0x15c: {  	[sflag:s22] =	ssyncset.done $0x0  }
0x15d: {  	[sflag:s22] =	ssyncadd.s32 $0xFFFFF000  }
0x15e: {  	_ =	swait.ge [sflag:s22], $0x1000  }
0x15f: {  	s13 =	simm.s32 $0x380;
	s12 =	simm.s32 $0x12C00;
	[sflag:s22] =	ssyncset.done $0x0  }
0x160: {  	s14 =	simm.s32 $0x13240;
	s15 =	sadd.s32 $0x0, s8;
	[sflag:s22] =	ssyncadd.s32 $0xFFFFF000  }
.LBB2_7:
0x161: {  	[hbm4b:s15+s23] =	stream.strided.scatter [tilespmem:s12], [sflag:$0x3], $0x640, s9, s23, $0x38;
	[tilespmem:$0x1F400] =	vst v63  }
0x162: {  	s15 =	smov.u32 s13;
	s12 =	smov.u32 s14;
	p0 =	sne.s32 s13, $0x6C80  }
.Ltmp2:
0x163: {  	s13 =	sadd.s32 $0x380, s13;
	(pc) =	sbr.rel @p0 .LBB2_7-.Ltmp2, $2  }
0x164: {  	_ =	sdelay $0x2  }
0x165: {  	s14 =	sadd.s32 $0x640, s14;
	s15 =	sadd.s32 s15, s8  }
0x166: {  	s11 =	sadd.s32 $0x1, s11  }
0x167: {  	p0 =	sne.s32 s11, $0x8  }
.Ltmp3:
0x168: {  	_ = 	snop;
	(pc) =	sbr.rel @p0 .LBB2_2-.Ltmp3, $3  }
0x169: {  	_ =	sdelay $0x1  }
0x16a: {  	[hbm4b:s15+s23] =	stream.strided.scatter [tilespmem:s12], [sflag:$0x3], $0x640, s9, s23, $0x38;
	[tilespmem:$0x1F400] =	vst v63  }
0x16b: {  	s10 =	sadd.s32 $0xE000, s10;
	s8 =	sadd.s32 $0xE000, s8  }
0x16c: {  	_ =	swait.ge [sflag:s6], $0x640  }
0x16d: {  	[sflag:s6] =	ssyncset.done $0x0  }
0x16e: {  	[sflag:s6] =	ssyncadd.s32 $0xFFFFF9C0  }
0x16f: {  	_ =	swait.ge [sflag:s6], $0x640  }
0x170: {  	[sflag:s6] =	ssyncset.done $0x0  }
0x171: {  	[sflag:s6] =	ssyncadd.s32 $0xFFFFF9C0  }
0x172: {  	_ =	swait.ge [sflag:s6], $0x640  }
0x173: {  	[sflag:s6] =	ssyncset.done $0x0  }
0x174: {  	[sflag:s6] =	ssyncadd.s32 $0xFFFFF9C0  }
0x175: {  	_ =	swait.ge [sflag:s6], $0x640  }
0x176: {  	[sflag:s6] =	ssyncset.done $0x0  }
0x177: {  	[sflag:s6] =	ssyncadd.s32 $0xFFFFF9C0  }
0x178: {  	_ =	swait.ge [sflag:s6], $0x640  }
0x179: {  	[sflag:s6] =	ssyncset.done $0x0  }
0x17a: {  	[sflag:s6] =	ssyncadd.s32 $0xFFFFF9C0  }
0x17b: {  	_ =	swait.ge [sflag:s6], $0x640  }
0x17c: {  	[sflag:s6] =	ssyncset.done $0x0  }
0x17d: {  	[sflag:s6] =	ssyncadd.s32 $0xFFFFF9C0  }
0x17e: {  	_ =	swait.ge [sflag:s6], $0x640  }
0x17f: {  	[sflag:s6] =	ssyncset.done $0x0  }
0x180: {  	[sflag:s6] =	ssyncadd.s32 $0xFFFFF9C0  }
0x181: {  	_ =	swait.ge [sflag:s6], $0x640  }
0x182: {  	[sflag:s6] =	ssyncset.done $0x0  }
0x183: {  	[sflag:s6] =	ssyncadd.s32 $0xFFFFF9C0  }
0x184: {  	_ =	swait.ge [sflag:s6], $0x640  }
0x185: {  	[sflag:s6] =	ssyncset.done $0x0  }
0x186: {  	[sflag:s6] =	ssyncadd.s32 $0xFFFFF9C0  }
0x187: {  	_ =	swait.ge [sflag:s6], $0x640  }
0x188: {  	[sflag:s6] =	ssyncset.done $0x0  }
0x189: {  	[sflag:s6] =	ssyncadd.s32 $0xFFFFF9C0  }
0x18a: {  	_ =	swait.ge [sflag:s6], $0x640  }
0x18b: {  	[sflag:s6] =	ssyncset.done $0x0  }
0x18c: {  	[sflag:s6] =	ssyncadd.s32 $0xFFFFF9C0  }
0x18d: {  	_ =	swait.ge [sflag:s6], $0x640  }
0x18e: {  	[sflag:s6] =	ssyncset.done $0x0  }
0x18f: {  	[sflag:s6] =	ssyncadd.s32 $0xFFFFF9C0  }
0x190: {  	_ =	swait.ge [sflag:s6], $0x640  }
0x191: {  	[sflag:s6] =	ssyncset.done $0x0  }
0x192: {  	[sflag:s6] =	ssyncadd.s32 $0xFFFFF9C0  }
0x193: {  	_ =	swait.ge [sflag:s6], $0x640  }
0x194: {  	[sflag:s6] =	ssyncset.done $0x0  }
0x195: {  	[sflag:s6] =	ssyncadd.s32 $0xFFFFF9C0  }
0x196: {  	_ =	swait.ge [sflag:s6], $0x640  }
0x197: {  	[sflag:s6] =	ssyncset.done $0x0  }
0x198: {  	[sflag:s6] =	ssyncadd.s32 $0xFFFFF9C0  }
0x199: {  	_ =	swait.ge [sflag:s6], $0x640  }
0x19a: {  	[sflag:s6] =	ssyncset.done $0x0  }
0x19b: {  	[sflag:s6] =	ssyncadd.s32 $0xFFFFF9C0  }
0x19c: {  	_ =	swait.ge [sflag:s6], $0x640  }
0x19d: {  	[sflag:s6] =	ssyncset.done $0x0  }
0x19e: {  	[sflag:s6] =	ssyncadd.s32 $0xFFFFF9C0  }
0x19f: {  	_ =	swait.ge [sflag:s6], $0x640  }
0x1a0: {  	[sflag:s6] =	ssyncset.done $0x0  }
0x1a1: {  	[sflag:s6] =	ssyncadd.s32 $0xFFFFF9C0  }
0x1a2: {  	_ =	swait.ge [sflag:s6], $0x640  }
0x1a3: {  	[sflag:s6] =	ssyncset.done $0x0  }
0x1a4: {  	[sflag:s6] =	ssyncadd.s32 $0xFFFFF9C0  }
0x1a5: {  	_ =	swait.ge [sflag:s6], $0x640  }
0x1a6: {  	[sflag:s6] =	ssyncset.done $0x0  }
0x1a7: {  	[sflag:s6] =	ssyncadd.s32 $0xFFFFF9C0  }
0x1a8: {  	_ =	swait.ge [sflag:s6], $0x640  }
0x1a9: {  	[sflag:s6] =	ssyncset.done $0x0  }
0x1aa: {  	[sflag:s6] =	ssyncadd.s32 $0xFFFFF9C0  }
0x1ab: {  	_ =	swait.ge [sflag:s6], $0x640  }
0x1ac: {  	[sflag:s6] =	ssyncset.done $0x0  }
0x1ad: {  	[sflag:s6] =	ssyncadd.s32 $0xFFFFF9C0  }
0x1ae: {  	_ =	swait.ge [sflag:s6], $0x640  }
0x1af: {  	[sflag:s6] =	ssyncset.done $0x0  }
0x1b0: {  	[sflag:s6] =	ssyncadd.s32 $0xFFFFF9C0  }
0x1b1: {  	_ =	swait.ge [sflag:s6], $0x640  }
0x1b2: {  	[sflag:s6] =	ssyncset.done $0x0  }
0x1b3: {  	[sflag:s6] =	ssyncadd.s32 $0xFFFFF9C0  }
0x1b4: {  	_ =	swait.ge [sflag:s6], $0x640  }
0x1b5: {  	[sflag:s6] =	ssyncset.done $0x0  }
0x1b6: {  	[sflag:s6] =	ssyncadd.s32 $0xFFFFF9C0  }
0x1b7: {  	_ =	swait.ge [sflag:s6], $0x640  }
0x1b8: {  	[sflag:s6] =	ssyncset.done $0x0  }
0x1b9: {  	[sflag:s6] =	ssyncadd.s32 $0xFFFFF9C0  }
0x1ba: {  	_ =	swait.ge [sflag:s6], $0x640  }
0x1bb: {  	[sflag:s6] =	ssyncset.done $0x0  }
0x1bc: {  	[sflag:s6] =	ssyncadd.s32 $0xFFFFF9C0  }
0x1bd: {  	_ =	swait.ge [sflag:s6], $0x640  }
0x1be: {  	[sflag:s6] =	ssyncset.done $0x0  }
0x1bf: {  	[sflag:s6] =	ssyncadd.s32 $0xFFFFF9C0  }
0x1c0: {  	_ =	swait.ge [sflag:s6], $0x640  }
0x1c1: {  	[sflag:s6] =	ssyncset.done $0x0  }
0x1c2: {  	[sflag:s6] =	ssyncadd.s32 $0xFFFFF9C0  }
0x1c3: {  	_ =	swait.ge [sflag:s6], $0x640  }
0x1c4: {  	[sflag:s6] =	ssyncset.done $0x0  }
0x1c5: {  	[sflag:s6] =	ssyncadd.s32 $0xFFFFF9C0  }
0x1c6: {  	_ =	swait.ge [sflag:s6], $0x640  }
0x1c7: {  	[sflag:s6] =	ssyncset.done $0x0  }
0x1c8: {  	[sflag:s6] =	ssyncadd.s32 $0xFFFFF9C0  }
0x1c9: {  	_ =	swait.ge [sflag:s6], $0x640  }
0x1ca: {  	[sflag:s6] =	ssyncset.done $0x0  }
0x1cb: {  	[sflag:s6] =	ssyncadd.s32 $0xFFFFF9C0  }
0x1cc: {  	_ =	swait.ge [sflag:s7], $0x640  }
0x1cd: {  	[sflag:s7] =	ssyncset.done $0x0  }
0x1ce: {  	[sflag:s7] =	ssyncadd.s32 $0xFFFFF9C0  }
0x1cf: {  	_ =	swait.ge [sflag:s7], $0x640  }
0x1d0: {  	[sflag:s7] =	ssyncset.done $0x0  }
0x1d1: {  	[sflag:s7] =	ssyncadd.s32 $0xFFFFF9C0  }
0x1d2: {  	_ =	swait.ge [sflag:s7], $0x640  }
0x1d3: {  	[sflag:s7] =	ssyncset.done $0x0  }
0x1d4: {  	[sflag:s7] =	ssyncadd.s32 $0xFFFFF9C0  }
0x1d5: {  	_ =	swait.ge [sflag:s7], $0x640  }
0x1d6: {  	[sflag:s7] =	ssyncset.done $0x0  }
0x1d7: {  	[sflag:s7] =	ssyncadd.s32 $0xFFFFF9C0  }
0x1d8: {  	_ =	swait.ge [sflag:s7], $0x640  }
0x1d9: {  	[sflag:s7] =	ssyncset.done $0x0  }
0x1da: {  	[sflag:s7] =	ssyncadd.s32 $0xFFFFF9C0  }
0x1db: {  	_ =	swait.ge [sflag:s7], $0x640  }
0x1dc: {  	[sflag:s7] =	ssyncset.done $0x0  }
0x1dd: {  	[sflag:s7] =	ssyncadd.s32 $0xFFFFF9C0  }
0x1de: {  	_ =	swait.ge [sflag:s7], $0x640  }
0x1df: {  	[sflag:s7] =	ssyncset.done $0x0  }
0x1e0: {  	[sflag:s7] =	ssyncadd.s32 $0xFFFFF9C0  }
0x1e1: {  	_ =	swait.ge [sflag:s7], $0x640  }
0x1e2: {  	[sflag:s7] =	ssyncset.done $0x0  }
0x1e3: {  	[sflag:s7] =	ssyncadd.s32 $0xFFFFF9C0  }
0x1e4: {  	_ =	swait.ge [sflag:s7], $0x640  }
0x1e5: {  	[sflag:s7] =	ssyncset.done $0x0  }
0x1e6: {  	[sflag:s7] =	ssyncadd.s32 $0xFFFFF9C0  }
0x1e7: {  	_ =	swait.ge [sflag:s7], $0x640  }
0x1e8: {  	[sflag:s7] =	ssyncset.done $0x0  }
0x1e9: {  	[sflag:s7] =	ssyncadd.s32 $0xFFFFF9C0  }
0x1ea: {  	_ =	swait.ge [sflag:s7], $0x640  }
0x1eb: {  	[sflag:s7] =	ssyncset.done $0x0  }
0x1ec: {  	[sflag:s7] =	ssyncadd.s32 $0xFFFFF9C0  }
0x1ed: {  	_ =	swait.ge [sflag:s7], $0x640  }
0x1ee: {  	[sflag:s7] =	ssyncset.done $0x0  }
0x1ef: {  	[sflag:s7] =	ssyncadd.s32 $0xFFFFF9C0  }
0x1f0: {  	_ =	swait.ge [sflag:s7], $0x640  }
0x1f1: {  	[sflag:s7] =	ssyncset.done $0x0  }
0x1f2: {  	[sflag:s7] =	ssyncadd.s32 $0xFFFFF9C0  }
0x1f3: {  	_ =	swait.ge [sflag:s7], $0x640  }
0x1f4: {  	[sflag:s7] =	ssyncset.done $0x0  }
0x1f5: {  	[sflag:s7] =	ssyncadd.s32 $0xFFFFF9C0  }
0x1f6: {  	_ =	swait.ge [sflag:s7], $0x640  }
0x1f7: {  	[sflag:s7] =	ssyncset.done $0x0  }
0x1f8: {  	[sflag:s7] =	ssyncadd.s32 $0xFFFFF9C0  }
0x1f9: {  	_ =	swait.ge [sflag:s7], $0x640  }
0x1fa: {  	[sflag:s7] =	ssyncset.done $0x0  }
0x1fb: {  	[sflag:s7] =	ssyncadd.s32 $0xFFFFF9C0  }
0x1fc: {  	_ =	swait.ge [sflag:s7], $0x640  }
0x1fd: {  	[sflag:s7] =	ssyncset.done $0x0  }
0x1fe: {  	[sflag:s7] =	ssyncadd.s32 $0xFFFFF9C0  }
0x1ff: {  	_ =	swait.ge [sflag:s7], $0x640  }
0x200: {  	[sflag:s7] =	ssyncset.done $0x0  }
0x201: {  	[sflag:s7] =	ssyncadd.s32 $0xFFFFF9C0  }
0x202: {  	_ =	swait.ge [sflag:s7], $0x640  }
0x203: {  	[sflag:s7] =	ssyncset.done $0x0  }
0x204: {  	[sflag:s7] =	ssyncadd.s32 $0xFFFFF9C0  }
0x205: {  	_ =	swait.ge [sflag:s7], $0x640  }
0x206: {  	[sflag:s7] =	ssyncset.done $0x0  }
0x207: {  	[sflag:s7] =	ssyncadd.s32 $0xFFFFF9C0  }
0x208: {  	_ =	swait.ge [sflag:s7], $0x640  }
0x209: {  	[sflag:s7] =	ssyncset.done $0x0  }
0x20a: {  	[sflag:s7] =	ssyncadd.s32 $0xFFFFF9C0  }
0x20b: {  	_ =	swait.ge [sflag:s7], $0x640  }
0x20c: {  	[sflag:s7] =	ssyncset.done $0x0  }
0x20d: {  	[sflag:s7] =	ssyncadd.s32 $0xFFFFF9C0  }
0x20e: {  	_ =	swait.ge [sflag:s7], $0x640  }
0x20f: {  	[sflag:s7] =	ssyncset.done $0x0  }
0x210: {  	[sflag:s7] =	ssyncadd.s32 $0xFFFFF9C0  }
0x211: {  	_ =	swait.ge [sflag:s7], $0x640  }
0x212: {  	[sflag:s7] =	ssyncset.done $0x0  }
0x213: {  	[sflag:s7] =	ssyncadd.s32 $0xFFFFF9C0  }
0x214: {  	_ =	swait.ge [sflag:s7], $0x640  }
0x215: {  	[sflag:s7] =	ssyncset.done $0x0  }
0x216: {  	[sflag:s7] =	ssyncadd.s32 $0xFFFFF9C0  }
0x217: {  	_ =	swait.ge [sflag:s7], $0x640  }
0x218: {  	[sflag:s7] =	ssyncset.done $0x0  }
0x219: {  	[sflag:s7] =	ssyncadd.s32 $0xFFFFF9C0  }
0x21a: {  	_ =	swait.ge [sflag:s7], $0x640  }
0x21b: {  	[sflag:s7] =	ssyncset.done $0x0  }
0x21c: {  	[sflag:s7] =	ssyncadd.s32 $0xFFFFF9C0  }
0x21d: {  	_ =	swait.ge [sflag:s7], $0x640  }
0x21e: {  	[sflag:s7] =	ssyncset.done $0x0  }
0x21f: {  	[sflag:s7] =	ssyncadd.s32 $0xFFFFF9C0  }
0x220: {  	_ =	swait.ge [sflag:s7], $0x640  }
0x221: {  	[sflag:s7] =	ssyncset.done $0x0  }
0x222: {  	[sflag:s7] =	ssyncadd.s32 $0xFFFFF9C0  }
0x223: {  	_ =	swait.ge [sflag:s7], $0x640  }
0x224: {  	[sflag:s7] =	ssyncset.done $0x0  }
0x225: {  	[sflag:s7] =	ssyncadd.s32 $0xFFFFF9C0  }
0x226: {  	_ =	swait.ge [sflag:s7], $0x640  }
0x227: {  	[sflag:s7] =	ssyncset.done $0x0  }
0x228: {  	[sflag:s7] =	ssyncadd.s32 $0xFFFFF9C0  }
0x229: {  	_ =	swait.ge [sflag:s7], $0x640  }
0x22a: {  	s10 =	rddreg [dreg:$0x7]  }
0x22b: {  	s8 =	rddreg [dreg:$0x4];
	s10 =	sadd.s32 $0x1, s10  }
0x22c: {  	p0 =	sne.s32 s10, s8  }
.Ltmp4:
0x22d: {  	_ = 	snop;
	(pc) =	sbr.rel @p0 .LBB2_1-.Ltmp4, $3  }
0x22e: {  	_ =	sdelay $0x1  }
0x22f: {  	[sflag:s7] =	ssyncset.done $0x0  }
0x230: {  	[sflag:s7] =	ssyncadd.s32 $0xFFFFF9C0  }
0x231: {  	_ =	sfence.sel $0x180000  }
0x232: {  	[bflag:$0x0] =	sbarrier.arrive $0xFFFF  }
0x233: {  	_ =	strace $0x90000047  }
0x234: {  	s0 =	stileid.u32;
	[bflag:$0x2] =	sbarrier.arrive $0xFFFF  }
0x235: {  	p0 =	sne.s32 s0, $0x0;
	s0 =	rddreg [dreg:$0x2]  }
0x236: {  	s0 =	sadd.s32 @!p0 $0x100000, s0  }
0x237: {  	[sflag:s0] =	ssyncadd.tile.s32 @!p0 $0x1;
	_ =	shalt  }
.Lfunc_end2:
_tile_overlayer_lowered:
.L_overlay_start_2:
0x238: {  	(tag) =	ssettag $0x2  }
0x239: {  	s0 =	rddreg [dreg:$0x0];
	s2 =	stileid.u32  }
0x23a: {  	s1 =	rddreg [dreg:$0x1];
	p0 =	sne.s32 s2, $0x0  }
0x23b: {  	s3 =	rddreg [dreg:$0x2];
	[bflag:$0x3] =	sbarrier.arrive $0xFFFF;
	s2 =	simm.s32 @!p0 $0x1C04  }
0x23c: {  	[timem:s3], [sflag:s2] =	dma.local @!p0 [hbm:s0], s1  }
0x23d: {  	s0 =	simm.s32 @!p0 $0x4  }
0x23e: {  	_ =	swait.ge @!p0 [sflag:s0], s1  }
0x23f: {  	s1 =	ssub.s32 @!p0 $0x0, s1;
	[sflag:s0] =	ssyncset.done @!p0 $0x0  }
0x240: {  	[sflag:s0] =	ssyncadd.s32 @!p0 s1  }
0x241: {  	[bflag:$0x3] =	sbarrier.arrive $0xFFFF  }
0x242: {  	_ =	shalt  }

// kernel: sparse-core-data-format-call.cloned.1.call-start
scs
called_computation_lowered:
.L_overlay_start_0:
0x0: {  	s2 =	sld [smem:$0x3FD9]  }
0x1: {  	s3 =	sld [smem:$0x3FFE];
	_ =	sdelay $0x1  }
0x2: {  	s1 =	srdreg.scid  }
0x3: {  	s0 =	sand.u32 $0x1, s1  }
0x4: {  	s18 =	sshll.u32 s0, $0xA;
	s2 =	sadd.s32 s3, s2  }
0x5: {  	s2 =	sadd.s32 s2, s18  }
0x6: {  	[smem:$0x3FC6] =	sst s2  }
0x7: {  	_ = 	snop  }
0x8: {  	s2 =	sld [smem:$0x3FD0];
	(tm) =	ssettm $0x1  }
0x9: {  	s19 =	sld [smem:$0x3FFB];
	_ =	sdelay $0x3  }
0xa: {  	_ =	strace s19  }
0xb: {  	s3 =	sld [smem:$0x3FFC];
	_ =	sdelay $0x3  }
0xc: {  	_ =	strace s3  }
0xd: {  	s3 =	sld [smem:$0x3FFD];
	_ =	sdelay $0x3  }
0xe: {  	_ =	strace s3  }
0xf: {  	_ =	strace $0x8FFFFFFF  }
0x10: {  	s20 =	sld [smem:$0x3FDB];
	_ =	sdelay $0x1  }
0x11: {  	s4 =	simm.s32 $_scs_section_size  }
0x12: {  	s5 =	simm.s32 $_size__tile_overlayer_lowered;
	s6 =	simm.s32 $_tile_overlayer_lowered  }
0x13: {  	s23 =	simm.s32 $0x1BFF;
	s22 =	sshll.u32 s6, $0x1;
	s3 =	sadd.s32 s4, s20  }
0x14: {  	s7 =	simm.s32 $0x0;
	s21 =	sshll.u32 s5, $0x1;
	s5 =	sadd.s32 s22, s3  }
0x15: {  	[timem:s7], [sflag:s23] =	dma.local [hbm:s5], s21  }
0x16: {  	_ =	swait.ge [sflag:s23], s21  }
0x17: {  	s4 =	ssub.s32 $0x0, s21;
	[sflag:s23] =	ssyncset.done $0x0  }
0x18: {  	[sflag:s23] =	ssyncadd.s32 s4;
	_ =	sdelay $0x1  }
0x19: {  	s24 =	simm.s32 $0x1B8B  }
0x1a: {  	_ =	swait.ge [sflag:s24], $0x1  }
0x1b: {  	[sflag:s24] =	ssyncset.done $0x0  }
0x1c: {  	s26 =	simm.s32 $0x1B8E;
	s25 =	sld [smem:$0x3FFE];
	[sflag:s24] =	ssyncadd.s32 $0xFFFFFFFF  }
0x1d: {  	s27 =	simm.s32 $execute0_lowered;
	[smem:$0x3FD2] =	sst s26  }
0x1e: {  	s5 =	sshll.u32 s27, $0x1;
	_ =	strace $0x80000049;
	[dreg:$0x1] =	wrdreg $0xFFFFFFFF  }
0x1f: {  	s28 =	simm.s32 $_size_execute0_lowered;
	s3 =	sadd.s32 s3, s5;
	[dreg:$0x0] =	wrdreg $0x0  }
0x20: {  	s5 =	sshll.u32 s28, $0x1;
	[dreg:$0x2] =	wrdreg s3  }
0x21: {  	[dreg:$0x3] =	wrdreg s5  }
0x22: {  	[dreg:$0x4] =	wrdreg $0xC0  }
0x23: {  	_ =	task [dreg:s7], $0x5FFFF  }
0x24: {  	[dreg:$0x1] =	wrdreg $0xFFFFFFFF  }
0x25: {  	[dreg:$0x0] =	wrdreg $0x60  }
0x26: {  	[dreg:$0x2] =	wrdreg s25  }
0x27: {  	[dreg:$0x3] =	wrdreg s2  }
0x28: {  	[dreg:$0x4] =	wrdreg $0x9  }
0x29: {  	_ =	task.clear_ibuf [dreg:s7], $0x5FFFF;
	_ =	strace $0x90000049  }
0x2a: {  	s29 =	simm.s32 $0x9;
	_ =	strace $0x8000004B  }
0x2b: {  	_ =	swait.ge [sflag:s29], $0x1  }
0x2c: {  	[sflag:s29] =	ssyncadd.s32 $0xFFFFFFFF  }
0x2d: {  	_ =	strace $0x9000004B  }
0x2e: {  	_ =	sfence  }
0x2f: {  	s30 =	sld [smem:$0x0];
	_ =	sdelay $0x2  }
0x30: {  	s31 =	sshll.u32 s1, $0xD;
	s1 =	sshrl.u32 s1, $0x2  }
0x31: {  	s3 =	sand.u32 $0x4000, s31;
	s1 =	sadd.s32 s1, s30  }
0x32: {  	s0 =	sor.u32 s3, s0;
	s1 =	sshll.u32 s1, $0x11  }
0x33: {  	s0 =	sor.u32 s1, s0  }
0x34: {  	s0 =	sadd.s32 $0x8F2B, s0  }
0x35: {  	[sflag:s0] =	ssyncadd.remote.s32 $0x1  }
0x36: {  	_ =	sfence.sel $0xFFFF  }
0x37: {  	[dreg:$0x0] =	wrdreg $0xFFFFFFFF;
	(pc) =	sbr.abs _section_cstart, $3  }
0x38: {  	[dreg:$0x1] =	wrdreg $0xFFFFFFFF  }
0x39: {  	_ =	task.clear_ibuf [dreg:s7], $0x2FFFF;
	_ =	strace $0x9FFFFFFF  }
0x3a: {  	(tm) =	ssettm $0x7FFFFFFF  }
0x3b: {  	_ =	shalt  }
tec
execute0_lowered:
.L_overlay_start_1:
0x0: {  	(tag) =	ssettag $0x1  }
0x1: {  	s0 =	srdreg.scid  }
0x2: {  	s1 =	sshll.u32 s0, $0x4  }
0x3: {  	s0 =	stileid.u32;
	s1 =	sand.u32 $0x10, s1  }
0x4: {  	s1 =	sor.u32 s0, s1  }
0x5: {  	s6 =	rddreg [dreg:$0x0];
	s4 =	simm.s32 $0x1;
	s2 =	sshll.u32 s1, $0x7  }
0x6: {  	s7 =	simm.s32 $0x2;
	s12 =	simm.s32 $0x0;
	s1 =	ssub.s32 $0x4000, s2  }
0x7: {  	s8 =	simm.s32 $0x20000;
	s13 =	simm.s32 $0x0;
	s3 =	sand.u32 $0xF80, s1  }
0x8: {  	s9 =	simm.s32 $0x0;
	s5 =	sshrl.u32 s1, $0xC;
	p0 =	sne.s32 s3, $0x0  }
.Ltmp0:
0x9: {  	s1 =	rddreg [dreg:$0x2];
	s4 =	simm.s32 @!p0 $0x0;
	(pc) =	sbr.rel .LBB1_1-.Ltmp0, $4  }
0xa: {  	s11 =	simm.s32 $0x0;
	s3 =	rddreg [dreg:$0x1];
	s5 =	sadd.s32 s4, s5  }
0xb: {  	_ =	strace $0x8000004A;
	s4 =	simm.s32 $0x1;
	s5 =	smul.u32 $0x32, s5  }
0xc: {  	s6 =	sadd.s32 $0xA00, s6;
	s10 =	smov.u32 s2;
	[sflag:s4] =	ssyncpa.u1 $0x0  }
0xd: {  	p0 =	por $0x0, $0x0;
	[sflag:s7] =	ssyncpa.u1 $0x0;
	s7 =	sor.u32 $0x1, s5  }
.LBB1_4:
0xe: {  	s16 =	sshll.u32 s13, $0x3;
	s17 =	sand.u32 $0x78, s13  }
0xf: {  	s30 =	sand.u32 $0xF800, s13;
	s12 =	sshll.u32 s12, $0x10;
	s16 =	sand.u32 $0x3C00, s16  }
0x10: {  	s31 =	sand.u32 $0x7, s13;
	s16 =	sor.u32 s17, s16;
	s17 =	sadd.s32 s3, s30  }
0x11: {  	s13 =	sshll.u32 s31, $0x12;
	s16 =	sshrl.u32 s16, $0x3;
	s12 =	sadd.s32 s12, s17  }
0x12: {  	[tilespmem:s15+$0x0 ss:$0x81] =	vst.msk $0xffff, v0;
	s13 =	sor.u32 $0x400, s13;
	s12 =	sadd.s32 s16, s12  }
0x13: {  	[hbm4b:s12+s13] =	stream.strided.scatter [tilespmem:s14], [sflag:$0x2], $0x1000, s8, s13, $0x20;
	[tilespmem:$0x4040] =	vst v63  }
.LBB1_5:
0x14: {  	s14 =	sadd.s32 $0x1, s9  }
0x15: {  	s12 =	sadd.s32 $0x1000, s10;
	s16 =	smov.u32 s10;
	p2 =	sgt.s32 s14, $0x31  }
0x16: {  	s16 =	smov.u32 @p2 s12  }
0x17: {  	s14 =	simm.s32 @p2 $0x0;
	p2 =	sgt.s32 s16, $0x3FFF  }
0x18: {  	s16 =	smov.u32 @p2 s2;
	p2 =	sne.s32 s11, s7  }
.Ltmp1:
0x19: {  	p1 =	slt.u32 s11, $0x2;
	(pc) =	sbr.rel @!p2 .LBB1_6-.Ltmp1, $4  }
0x1a: {  	s15 =	simm.s32 @!p1 $0x2  }
0x1b: {  	s13 =	smov.u32 s10;
	p0 =	por !p0, !p0;
	_ =	swait.ge @!p1 [sflag:s15], $0x1000  }
0x1c: {  	s12 =	smov.u32 s9;
	[sflag:s15] =	ssyncset.done @!p1 $0x0;
	s9 =	smov.u32 s14  }
0x1d: {  	s11 =	sadd.s32 $0x1, s11;
	[sflag:s15] =	ssyncadd.s32 @!p1 $0xFFFFF000;
	s10 =	smov.u32 s16  }
.LBB1_1:
0x1e: {  	p1 =	sge.u32 s11, s5  }
0x1f: {  	s14 =	sand.u32 @!p1 $0x1FFFFFF, s9  }
0x20: {  	s15 =	smulhi.u32 @!p1 $0x4924925, s14;
	_ =	sdelay $0x1  }
0x21: {  	s15 =	smul.u32 @!p1 $0x38, s15  }
0x22: {  	s16 =	sxor.u32 @!p1 $0xFFFFFFFF, s11;
	s17 =	smul.u32 @!p1 $0x380, s10  }
0x23: {  	s31 =	sadd.s32 $0xFFFFFFFF, s11;
	s16 =	sshll.u32 @!p1 s16, $0xC;
	s14 =	ssub.s32 @!p1 s14, s15  }
0x24: {  	s15 =	sand.u32 @!p1 $0x1000, s16;
	s16 =	sadd.s32 @!p1 s6, s17;
	s14 =	sshll.u32 @!p1 s14, $0x4  }
0x25: {  	s17 =	simm.s32 @!p1 $0x1C00;
	s14 =	sadd.s32 @!p1 s14, s16;
	s16 =	simm.s32 @!p1 $0x20  }
0x26: {  	[tilespmem:s15], [sflag:$0x1] =	stream.strided.gather @!p1 [hbm4b:s14+s16], $0x1000, s17, s16, $0x38;
	[tilespmem:$0x4040] =	vst v63  }
0x27: {  	p1 =	sge.u32 s31, s5  }
.Ltmp2:
0x28: {  	_ = 	snop;
	(pc) =	sbr.rel @p1 .LBB1_5-.Ltmp2, $1  }
0x29: {  	_ =	sdelay $0x3  }
0x2a: {  	s14 =	simm.s32 $0x1  }
0x2b: {  	_ =	swait.ge [sflag:s4], $0x1000;
	s14 =	simm.s32 @!p0 $0x0  }
0x2c: {  	[sflag:s4] =	ssyncset.done $0x0;
	s15 =	sshll.u32 s14, $0xC  }
0x2d: {  	[sflag:s4] =	ssyncadd.s32 $0xFFFFF000;
	s18 =	sor.u32 $0x10, s15  }
0x2e: {  	s14 =	smul.u32 $0x4080, s14;
	v1 =	vld [tilespmem:s18+$0x0]  }
0x2f: {  	s30 =	sand.u32 $0x1, s11;
	v0 =	vld [tilespmem:s18+$0xFFFFFFF0]  }
0x30: {  	s15 =	smul.u32 $0x4080, s30;
	s14 =	sshrl.u32 s14, $0x2  }
0x31: {  	s16 =	sor.u32 $0x2000, s14  }
0x32: {  	s31 =	sshrl.u32 s15, $0x2;
	s15 =	sadd.s32 $0x0, s16  }
0x33: {  	s17 =	simm.s32 $0x4;
	s18 =	sadd.s32 $0x20, s18;
	s14 =	sor.u32 $0x2000, s31;
	[tilespmem:s15+$0x810 ss:$0x81] =	vst.msk $0xffff, v1  }
.LBB1_3:
0x34: {  	v1 =	vld [tilespmem:s18+$0x0];
	p1 =	sne.s32 s17, $0x1FC;
	[tilespmem:s15+$0x0 ss:$0x81] =	vst.msk $0xffff, v0;
	s15 =	smov.u32 s17;
	s17 =	sadd.s32 $0x4, s17  }
.Ltmp3:
0x35: {  	v0 =	vld [tilespmem:s18+$0xFFFFFFF0];
	(pc) =	sbr.rel @p1 .LBB1_3-.Ltmp3, $4  }
0x36: {  	_ = 	snop  }
0x37: {  	s15 =	sshra.s32 s15, $0x2  }
0x38: {  	s15 =	sadd.s32 s15, s16  }
0x39: {  	s18 =	sadd.s32 $0x20, s18;
	[tilespmem:s15+$0x810 ss:$0x81] =	vst.msk $0xffff, v1  }
.Ltmp4:
0x3a: {  	_ = 	snop;
	(pc) =	sbr.rel .LBB1_4-.Ltmp4, $1  }
0x3b: {  	_ =	sdelay $0x3  }
.LBB1_6:
0x3c: {  	_ =	sfence.sel $0x180000  }
0x3d: {  	s2 =	simm.s32 $0x1;
	[bflag:$0x0] =	sbarrier.arrive $0xFFFF  }
0x3e: {  	s31 =	simm.s32 $0x2;
	[sflag:s2] =	ssyncpa.u1 $0x1  }
0x3f: {  	[sflag:s31] =	ssyncpa.u1 $0x1  }
0x40: {  	p0 =	sne.s32 s0, $0x0;
	_ =	strace $0x9000004A  }
0x41: {  	s0 =	sadd.s32 @!p0 $0x100000, s1;
	[bflag:$0x2] =	sbarrier.arrive $0xFFFF  }
0x42: {  	[sflag:s0] =	ssyncadd.tile.s32 @!p0 $0x1;
	_ =	shalt  }
.Lfunc_end1:
_tile_overlayer_lowered:
.L_overlay_start_2:
0x43: {  	(tag) =	ssettag $0x2  }
0x44: {  	s0 =	rddreg [dreg:$0x0];
	s2 =	stileid.u32  }
0x45: {  	s1 =	rddreg [dreg:$0x1];
	p0 =	sne.s32 s2, $0x0  }
0x46: {  	s3 =	rddreg [dreg:$0x2];
	[bflag:$0x3] =	sbarrier.arrive $0xFFFF;
	s2 =	simm.s32 @!p0 $0x1C01  }
0x47: {  	[timem:s3], [sflag:s2] =	dma.local @!p0 [hbm:s0], s1  }
0x48: {  	s0 =	simm.s32 @!p0 $0x1  }
0x49: {  	_ =	swait.ge @!p0 [sflag:s0], s1  }
0x4a: {  	s1 =	ssub.s32 @!p0 $0x0, s1;
	[sflag:s0] =	ssyncset.done @!p0 $0x0  }
0x4b: {  	[sflag:s0] =	ssyncadd.s32 @!p0 s1  }
0x4c: {  	[bflag:$0x3] =	sbarrier.arrive $0xFFFF  }
0x4d: {  	_ =	shalt  }

</sc_bundles>
